<compile_context>
chip_gen: v7x
topology: tpu7x:2x2x1
jax: 0.10.2.dev20260603
libtpu: 0.0.44.dev20260713+nightly
codegen_flags: <defaults>
</compile_context>

<pallas_src>
import functools

import jax
import jax.numpy as jnp
import numpy as np
from jax import lax
from jax.experimental import pallas as pl
from jax.experimental.pallas import tpu as pltpu
from jax.experimental.pallas import tpu_sc as plsc

BATCH = 16384
NUM_FIELDS = 19
EMBED_DIM = 16
CONCAT = NUM_FIELDS * EMBED_DIM
TABLE_ROWS = 1900000
_OFFSETS = np.arange(NUM_FIELDS, dtype=np.int32) * 100000
_FIELD_COLS = np.array([0, 5, 17, 18, 19, 20] + list(range(26, 39)))

_IDX_W = 128
_NW = 32
_BH = BATCH // 2

_TB_COLS = 16384
_TB_GRID = 116
_A_BLKS = 62
_B_LO, _B_BLKS = 61, 37
_B_BASE = _B_LO * _TB_COLS
_C_LO, _C_BLKS = 97, _TB_GRID - 97
_C_BASE = _C_LO * _TB_COLS

_FA = np.arange(10, dtype=np.int64)[:, None]
_BA = np.arange(BATCH, dtype=np.int64)[None, :]
_GA = ((_FA // 8) * (BATCH * 8) + _BA * 8 + (_FA % 8)).astype(np.int32)
_GA = _GA.reshape(_NW, -1, _IDX_W)
_FB = np.arange(10, 16, dtype=np.int64)[:, None]
_GB = (_BA * 8 + (_FB % 8)).astype(np.int32)
_GB = _GB.reshape(_NW, -1, _IDX_W)
_FC = np.arange(16, 19, dtype=np.int64)[:, None]
_BC = np.arange(_BH, dtype=np.int64)[None, :]
_GC = (_BC * 8 + (_FC % 8)).astype(np.int32)
_GC = _GC.reshape(_NW, -1, _IDX_W)


def _transpose_body(t_ref, out_ref):
    x = t_ref[...]
    a = x.reshape(16, 128, 128).reshape(2048, 128)
    b = jnp.transpose(a)
    c = b.reshape(128, 16, 128).reshape(2048, 128)
    d = jnp.transpose(c)
    out_ref[...] = d.reshape(128, 16, 128).reshape(2048, 128)


def _relayout_table(table_t, blk_lo, nblk):
    rows = nblk * _TB_COLS
    out = pl.pallas_call(
        _transpose_body,
        grid=(nblk,),
        in_specs=[pl.BlockSpec((EMBED_DIM, _TB_COLS),
                               lambda i: (0, blk_lo + i))],
        out_specs=pl.BlockSpec((_TB_COLS // 8, 128), lambda i: (i, 0)),
        out_shape=jax.ShapeDtypeStruct((rows // 8, 128), jnp.float32),
    )(table_t)
    return out.reshape(-1).reshape(rows, EMBED_DIM)


def _sc_gather_scatter(table_lin, idx3d, g3d, nplanes, nbatch):
    nw, rows_per_w, _ = idx3d.shape
    info = plsc.get_sparse_core_info()
    mesh = plsc.VectorSubcoreMesh(core_axis_name="c", subcore_axis_name="s")
    out_rows = nplanes * nbatch * 8

    @functools.partial(
        pl.kernel,
        out_type=jax.ShapeDtypeStruct((out_rows, EMBED_DIM), jnp.float32),
        mesh=mesh,
        scratch_types=[
            pltpu.VMEM((rows_per_w, _IDX_W), jnp.int32),
            pltpu.VMEM((rows_per_w, _IDX_W), jnp.int32),
            pltpu.VMEM((2, _IDX_W, EMBED_DIM), jnp.float32),
            pltpu.SemaphoreType.DMA,
            pltpu.SemaphoreType.DMA,
        ],
        compiler_params=pltpu.CompilerParams(use_tc_tiling_on_sc=False),
    )
    def k(table_hbm, idx_hbm, g_hbm, out_hbm, idx_v, g_v, rows_v, gsem, ssem):
        wid = lax.axis_index("s") * info.num_cores + lax.axis_index("c")
        pltpu.sync_copy(idx_hbm.at[wid], idx_v)
        pltpu.sync_copy(g_hbm.at[wid], g_v)

        pltpu.async_copy(table_hbm.at[idx_v.at[0]], rows_v.at[0], gsem)

        def body(j, carry):
            slot = lax.rem(j, 2)
            nslot = lax.rem(j + 1, 2)

            @pl.when(j > 0)
            def _():
                pltpu.make_async_copy(rows_v.at[nslot],
                                      out_hbm.at[g_v.at[j]], ssem).wait()

            @pl.when(j + 1 < rows_per_w)
            def _():
                pltpu.async_copy(table_hbm.at[idx_v.at[j + 1]],
                                 rows_v.at[nslot], gsem)

            pltpu.make_async_copy(table_hbm.at[idx_v.at[0]],
                                  rows_v.at[slot], gsem).wait()
            pltpu.async_copy(rows_v.at[slot], out_hbm.at[g_v.at[j]], ssem)
            return carry

        lax.fori_loop(0, rows_per_w, body, 0)
        pltpu.make_async_copy(rows_v.at[0], out_hbm.at[g_v.at[0]], ssem).wait()

    return k(table_lin, idx3d, g3d)


_BLK = 1024


def _tc_body(a_ref, b_ref, c_ref, w1a_ref, w1b_ref, w1c_ref, b1_ref, w2_ref,
             b2_ref, w3_ref, b3_ref, wo_ref, cb_ref, out_ref):
    lane = lax.broadcasted_iota(jnp.int32, (_BLK, 128), 1)
    x0 = a_ref[0]
    x1 = jnp.where(lane < 32, a_ref[1], b_ref[0])
    x2 = jnp.where(lane < CONCAT - 256, c_ref[0], 0.0)
    r = lax.broadcasted_iota(jnp.int32, (128, EMBED_DIM), 0)
    c = lax.broadcasted_iota(jnp.int32, (128, EMBED_DIM), 1)
    m = (r % EMBED_DIM == c).astype(jnp.float32)
    xs = x0 + x1 + x2
    xq = x0 * x0 + x1 * x1 + x2 * x2
    t = jnp.dot(xs, m, preferred_element_type=jnp.float32)
    u = jnp.dot(xq, m, preferred_element_type=jnp.float32)
    linear = jnp.sum(t, axis=1)
    fm = 0.5 * (jnp.sum(t * t, axis=1) - jnp.sum(u, axis=1))
    h = jnp.dot(x0, w1a_ref[...], preferred_element_type=jnp.float32)
    h += jnp.dot(x1, w1b_ref[...], preferred_element_type=jnp.float32)
    h += jnp.dot(x2, w1c_ref[...], preferred_element_type=jnp.float32)
    h = jnp.maximum(h + b1_ref[...], 0.0)
    h = jnp.maximum(jnp.dot(h, w2_ref[...], preferred_element_type=jnp.float32)
                    + b2_ref[...], 0.0)
    h = jnp.maximum(jnp.dot(h, w3_ref[...], preferred_element_type=jnp.float32)
                    + b3_ref[...], 0.0)
    mlp = jnp.sum(h * wo_ref[...], axis=1)
    logit = linear + fm + mlp + cb_ref[0, 0]
    out_ref[...] = jax.nn.sigmoid(logit)[None, None, :]


def _tc_forward(h, eA, eB, eC, w1a, w1b, w1c, b1, w2, b2, w3, b3, wo, cb):
    grid = _BH // _BLK
    full = lambda i: (0, 0)
    out = pl.pallas_call(
        _tc_body,
        grid=(grid,),
        in_specs=[
            pl.BlockSpec((2, _BLK, 128), lambda i: (0, h * (_BH // _BLK) + i, 0)),
            pl.BlockSpec((1, _BLK, 128), lambda i: (0, h * (_BH // _BLK) + i, 0)),
            pl.BlockSpec((1, _BLK, 128), lambda i: (0, i, 0)),
            pl.BlockSpec(w1a.shape, full),
            pl.BlockSpec(w1b.shape, full),
            pl.BlockSpec(w1c.shape, full),
            pl.BlockSpec(b1.shape, full),
            pl.BlockSpec(w2.shape, full),
            pl.BlockSpec(b2.shape, full),
            pl.BlockSpec(w3.shape, full),
            pl.BlockSpec(b3.shape, full),
            pl.BlockSpec(wo.shape, full),
            pl.BlockSpec(cb.shape, full),
        ],
        out_specs=pl.BlockSpec((1, 1, _BLK), lambda i: (i, 0, 0)),
        out_shape=jax.ShapeDtypeStruct((grid, 1, _BLK), jnp.float32),
    )(eA, eB, eC, w1a, w1b, w1c, b1, w2, b2, w3, b3, wo, cb)
    return out.reshape(_BH)


def kernel(x, additional, column, table, bias, W1, b1, g1, be1, W2, b2, g2,
           be2, W3, b3, g3, be3, Wo, bo):
    xt = x.T
    x_sel = xt[jnp.asarray(_FIELD_COLS)]
    idx = (x_sel + jnp.asarray(_OFFSETS)[:, None]).astype(jnp.int32)
    idxA = idx[:10].reshape(_NW, -1, _IDX_W)
    idxB = (idx[10:16] - _B_BASE).reshape(_NW, -1, _IDX_W)

    table_t = table.T
    tlA = _relayout_table(table_t, 0, _A_BLKS)
    tlB = _relayout_table(table_t, _B_LO, _B_BLKS)
    tlC = _relayout_table(table_t, _C_LO, _C_BLKS)

    outA = _sc_gather_scatter(tlA, idxA, jnp.asarray(_GA), 2, BATCH)
    eA = outA.reshape(2, BATCH, 128)
    outB = _sc_gather_scatter(tlB, idxB, jnp.asarray(_GB), 1, BATCH)
    eB = outB.reshape(1, BATCH, 128)
    eCs = []
    for h in range(2):
        idxC = (idx[16:, h * _BH:(h + 1) * _BH] - _C_BASE
                ).reshape(_NW, -1, _IDX_W)
        outC = _sc_gather_scatter(tlC, idxC, jnp.asarray(_GC), 1, _BH)
        eCs.append(outC.reshape(1, _BH, 128))

    inv = np.float32(1.0 / np.sqrt(1.0 + 1e-5))
    s1, s2, s3 = inv * g1, inv * g2, inv * g3
    w1 = W1 * s1[None, :]
    w1a = w1[0:128]
    w1b = w1[128:256]
    w1c = jnp.pad(w1[256:304], ((0, 80), (0, 0)))
    w2 = W2 * s2[None, :]
    w3 = W3 * s3[None, :]
    b1e = (b1 * s1 + be1)[None, :]
    b2e = (b2 * s2 + be2)[None, :]
    b3e = (b3 * s3 + be3)[None, :]
    wo = Wo.reshape(1, -1)
    cb = (bias[0] + bo[0]).reshape(1, 1)

    outs = [_tc_forward(h, eA, eB, eCs[h], w1a, w1b, w1c, b1e, w2, b2e, w3,
                        b3e, wo, cb)
            for h in range(2)]
    return jnp.concatenate(outs)

# --- scband reference (transcript-rebuilt; emitter-appended) ---
"""Pipeline reference for scband-deep-factorization-machine-model-46943992545837 (READ-ONLY COPY).

The authoritative reference and input builder live on the scoring server;
editing this copy changes nothing except your own understanding.
"""

import jax, jax.numpy as jnp
import numpy as np

FIELD_DIMS = np.array([100000] * 39, dtype=np.int64)
SEL = np.hstack((FIELD_DIMS[0], FIELD_DIMS[5], FIELD_DIMS[17:21], FIELD_DIMS[26:]))
OFFSETS = np.array((0, *np.cumsum(SEL)[:-1]), dtype=np.int64)
NUM_FIELDS = len(SEL)
EMBED_DIM = 16
MLP_DIMS = (400, 400, 400)
BATCH = 16384


def setup_inputs(seed: int = 0):
    key = jax.random.key(seed)
    ks = jax.random.split(key, 16)
    x = jax.random.randint(ks[0], (BATCH, 39), 0, 100000, dtype=jnp.int32)
    table = jax.random.normal(ks[1], (int(SEL.sum()), EMBED_DIM), dtype=jnp.float32) * 0.01
    bias = jnp.zeros((1,), dtype=jnp.float32)
    dims = [NUM_FIELDS * EMBED_DIM] + list(MLP_DIMS)
    params = {}
    for i in range(3):
        params['W%d' % (i + 1)] = jax.random.normal(ks[2 + i], (dims[i], dims[i + 1]), dtype=jnp.float32) * (1.0 / np.sqrt(dims[i]))
        params['b%d' % (i + 1)] = jnp.zeros((dims[i + 1],), dtype=jnp.float32)
        params['g%d' % (i + 1)] = jnp.ones((dims[i + 1],), dtype=jnp.float32)
        params['be%d' % (i + 1)] = jnp.zeros((dims[i + 1],), dtype=jnp.float32)
    Wo = jax.random.normal(ks[8], (MLP_DIMS[-1], 1), dtype=jnp.float32) * 0.05
    bo = jnp.zeros((1,), dtype=jnp.float32)
    out = {'x': x, 'additional': 0, 'column': 0, 'table': table, 'bias': bias}
    out.update(params)
    out['Wo'] = Wo
    out['bo'] = bo
    return out


def _forward(x, table, bias, W1, b1, g1, be1, W2, b2, g2, be2, W3, b3, g3, be3, Wo, bo):
    # field slicing as in the torch module
    x_sel = jnp.concatenate([x[:, 0:1], x[:, 5:6], x[:, 17:21], x[:, 26:]], axis=1)
    idx = x_sel + jnp.asarray(OFFSETS, dtype=x_sel.dtype)
    # embedding gather (SparseCore-friendly)
    embed_x = jnp.take(table, idx, axis=0)  # [B, 19, 16]
    # linear term (sum of all embedding entries + bias)
    linear_x = (jnp.sum(embed_x, axis=(1, 2)) + bias[0])[:, None]
    # factorization machine: 0.5 * sum((sum_f x)^2 - sum_f x^2)
    s = jnp.sum(embed_x, axis=1)
    fm = 0.5 * jnp.sum(s * s - jnp.sum(embed_x * embed_x, axis=1), axis=1, keepdims=True)
    # MLP (BatchNorm in eval mode: running_mean=0, running_var=1; dropout = identity at inference)
    h = embed_x.reshape(embed_x.shape[0], -1)
    inv = 1.0 / np.sqrt(1.0 + 1e-5)
    for (W, b, g, be) in ((W1, b1, g1, be1), (W2, b2, g2, be2), (W3, b3, g3, be3)):
        h = h @ W + b
        h = h * inv * g + be
        h = jax.nn.relu(h)
    mlp_out = h @ Wo + bo
    return jax.nn.sigmoid(jnp.squeeze(linear_x + fm + mlp_out, axis=1))


def reference(x, additional, column, table, bias, W1, b1, g1, be1, W2, b2, g2, be2, W3, b3, g3, be3, Wo, bo):
    return _forward(x, table, bias, W1, b1, g1, be1, W2, b2, g2, be2, W3, b3, g3, be3, Wo, bo)

if __name__ == "__main__":
    import jax
    _d = setup_inputs()
    print(jax.jit(kernel)(*tuple(_d.values())))

</pallas_src>

<mosaic_0001>
#map = affine_map<(d0, d1) -> (0, 0)>
#map1 = affine_map<(d0, d1) -> (0, 0, 0)>
module attributes {stable_mosaic.version = 14 : i64} {
  func.func @k(%arg0: i32, %arg1: i32, %arg2: memref<311296x16xf32, #tpu.memory_space<hbm>>, %arg3: memref<32x6x128xi32, #tpu.memory_space<hbm>>, %arg4: memref<32x6x128xi32, #tpu.memory_space<hbm>>, %arg5: memref<65536x16xf32, #tpu.memory_space<hbm>>, %arg6: memref<6x128xi32, #tpu.memory_space<vmem>>, %arg7: memref<6x128xi32, #tpu.memory_space<vmem>>, %arg8: memref<2x128x16xf32, #tpu.memory_space<vmem>>, %arg9: memref<!tpu.dma_semaphore, #tpu.memory_space<semaphore_mem>>, %arg10: memref<!tpu.dma_semaphore, #tpu.memory_space<semaphore_mem>>) attributes {dimension_semantics = [#tpu.dimension_semantics<core_parallel>, #tpu.dimension_semantics<subcore_parallel>], iteration_bounds = array<i64: 2, 16>, scalar_prefetch = 0 : i64, scratch_operands = 5 : i64, tpu.core_type = #tpu.core_type<sc_vector_subcore>, window_params = [{transform_indices = #map}, {transform_indices = #map1}, {transform_indices = #map1}, {transform_indices = #map}]} {
    %mul3A = arith.constant 2 : i32
    %mul3A_0 = arith.muli %arg1, %mul3A : i32
    %add3A = arith.addi %mul3A_0, %arg0 : i32
    "tpu.region"() ({
      %run_scoped3A = tpu.sem_alloc : memref<!tpu.dma_semaphore, #tpu.memory_space<semaphore_mem>>
      %dma_start3A_28 = arith.constant 0 : i32
      %dma_start3A_29 = arith.constant 0 : i32
      %dma_start3A_30 = tpu.memref_slice %arg3[%add3A, %dma_start3A_28, %dma_start3A_29] : memref<32x6x128xi32, #tpu.memory_space<hbm>> -> memref<1x6x128xi32, #tpu.memory_space<hbm>>
      %dma_start3A_31 = tpu.memref_squeeze %dma_start3A_30 : memref<1x6x128xi32, #tpu.memory_space<hbm>> -> memref<6x128xi32, #tpu.memory_space<hbm>>
      %dma_start3A_32 = arith.constant 0 : i32
      %dma_start3A_33 = arith.constant 0 : i32
      %dma_start3A_34 = tpu.memref_slice %arg3[%add3A, %dma_start3A_32, %dma_start3A_33] : memref<32x6x128xi32, #tpu.memory_space<hbm>> -> memref<1x6x128xi32, #tpu.memory_space<hbm>>
      %dma_start3A_35 = tpu.memref_squeeze %dma_start3A_34 : memref<1x6x128xi32, #tpu.memory_space<hbm>> -> memref<6x128xi32, #tpu.memory_space<hbm>>
      tpu.enqueue_dma source(%dma_start3A_35 : memref<6x128xi32, #tpu.memory_space<hbm>>) target(%arg6 : memref<6x128xi32, #tpu.memory_space<vmem>>) target_semaphore(%run_scoped3A : memref<!tpu.dma_semaphore, #tpu.memory_space<semaphore_mem>>)
      %dma_wait3A_36 = arith.constant 0 : i32
      %dma_wait3A_37 = arith.constant 0 : i32
      %dma_wait3A_38 = tpu.memref_slice %arg3[%add3A, %dma_wait3A_36, %dma_wait3A_37] : memref<32x6x128xi32, #tpu.memory_space<hbm>> -> memref<1x6x128xi32, #tpu.memory_space<hbm>>
      %dma_wait3A_39 = tpu.memref_squeeze %dma_wait3A_38 : memref<1x6x128xi32, #tpu.memory_space<hbm>> -> memref<6x128xi32, #tpu.memory_space<hbm>>
      %dma_wait3A_40 = arith.constant 0 : i32
      %dma_wait3A_41 = arith.constant 0 : i32
      %dma_wait3A_42 = tpu.memref_slice %arg3[%add3A, %dma_wait3A_40, %dma_wait3A_41] : memref<32x6x128xi32, #tpu.memory_space<hbm>> -> memref<1x6x128xi32, #tpu.memory_space<hbm>>
      %dma_wait3A_43 = tpu.memref_squeeze %dma_wait3A_42 : memref<1x6x128xi32, #tpu.memory_space<hbm>> -> memref<6x128xi32, #tpu.memory_space<hbm>>
      tpu.wait_dma2 semaphore(%run_scoped3A : memref<!tpu.dma_semaphore, #tpu.memory_space<semaphore_mem>>) src(%dma_wait3A_43 : memref<6x128xi32, #tpu.memory_space<hbm>>) dst(%arg6 : memref<6x128xi32, #tpu.memory_space<vmem>>)
      tpu.yield
    }) : () -> ()
    "tpu.region"() ({
      %run_scoped3A = tpu.sem_alloc : memref<!tpu.dma_semaphore, #tpu.memory_space<semaphore_mem>>
      %dma_start3A_28 = arith.constant 0 : i32
      %dma_start3A_29 = arith.constant 0 : i32
      %dma_start3A_30 = tpu.memref_slice %arg4[%add3A, %dma_start3A_28, %dma_start3A_29] : memref<32x6x128xi32, #tpu.memory_space<hbm>> -> memref<1x6x128xi32, #tpu.memory_space<hbm>>
      %dma_start3A_31 = tpu.memref_squeeze %dma_start3A_30 : memref<1x6x128xi32, #tpu.memory_space<hbm>> -> memref<6x128xi32, #tpu.memory_space<hbm>>
      %dma_start3A_32 = arith.constant 0 : i32
      %dma_start3A_33 = arith.constant 0 : i32
      %dma_start3A_34 = tpu.memref_slice %arg4[%add3A, %dma_start3A_32, %dma_start3A_33] : memref<32x6x128xi32, #tpu.memory_space<hbm>> -> memref<1x6x128xi32, #tpu.memory_space<hbm>>
      %dma_start3A_35 = tpu.memref_squeeze %dma_start3A_34 : memref<1x6x128xi32, #tpu.memory_space<hbm>> -> memref<6x128xi32, #tpu.memory_space<hbm>>
      tpu.enqueue_dma source(%dma_start3A_35 : memref<6x128xi32, #tpu.memory_space<hbm>>) target(%arg7 : memref<6x128xi32, #tpu.memory_space<vmem>>) target_semaphore(%run_scoped3A : memref<!tpu.dma_semaphore, #tpu.memory_space<semaphore_mem>>)
      %dma_wait3A_36 = arith.constant 0 : i32
      %dma_wait3A_37 = arith.constant 0 : i32
      %dma_wait3A_38 = tpu.memref_slice %arg4[%add3A, %dma_wait3A_36, %dma_wait3A_37] : memref<32x6x128xi32, #tpu.memory_space<hbm>> -> memref<1x6x128xi32, #tpu.memory_space<hbm>>
      %dma_wait3A_39 = tpu.memref_squeeze %dma_wait3A_38 : memref<1x6x128xi32, #tpu.memory_space<hbm>> -> memref<6x128xi32, #tpu.memory_space<hbm>>
      %dma_wait3A_40 = arith.constant 0 : i32
      %dma_wait3A_41 = arith.constant 0 : i32
      %dma_wait3A_42 = tpu.memref_slice %arg4[%add3A, %dma_wait3A_40, %dma_wait3A_41] : memref<32x6x128xi32, #tpu.memory_space<hbm>> -> memref<1x6x128xi32, #tpu.memory_space<hbm>>
      %dma_wait3A_43 = tpu.memref_squeeze %dma_wait3A_42 : memref<1x6x128xi32, #tpu.memory_space<hbm>> -> memref<6x128xi32, #tpu.memory_space<hbm>>
      tpu.wait_dma2 semaphore(%run_scoped3A : memref<!tpu.dma_semaphore, #tpu.memory_space<semaphore_mem>>) src(%dma_wait3A_43 : memref<6x128xi32, #tpu.memory_space<hbm>>) dst(%arg7 : memref<6x128xi32, #tpu.memory_space<vmem>>)
      tpu.yield
    }) : () -> ()
    %dma_start3A = arith.constant 0 : i32
    %dma_start3A_1 = arith.constant 0 : i32
    %dma_start3A_2 = arith.constant 0 : i32
    %dma_start3A_3 = arith.constant 0 : i32
    %dma_start3A_4 = tpu.memref_slice %arg8[%dma_start3A_1, %dma_start3A_2, %dma_start3A_3] : memref<2x128x16xf32, #tpu.memory_space<vmem>> -> memref<1x128x16xf32, #tpu.memory_space<vmem>>
    %dma_start3A_5 = tpu.memref_squeeze %dma_start3A_4 : memref<1x128x16xf32, #tpu.memory_space<vmem>> -> memref<128x16xf32, #tpu.memory_space<vmem>>
    %dma_start3A_6 = arith.constant 0 : i32
    %dma_start3A_7 = tpu.memref_slice %arg6[%dma_start3A, %dma_start3A_6] : memref<6x128xi32, #tpu.memory_space<vmem>> -> memref<1x128xi32, #tpu.memory_space<vmem>>
    %dma_start3A_8 = tpu.memref_squeeze %dma_start3A_7 : memref<1x128xi32, #tpu.memory_space<vmem>> -> memref<128xi32, #tpu.memory_space<vmem>>
    %dma_start3A_9 = arith.constant 0 : i32
    %dma_start3A_10 = arith.constant 0 : i32
    %dma_start3A_11 = tpu.memref_slice %arg2[%dma_start3A_9, %dma_start3A_10] : memref<311296x16xf32, #tpu.memory_space<hbm>> -> memref<311296x16xf32, #tpu.memory_space<hbm>>
    tpu.enqueue_indirect_dma source(%dma_start3A_11 : memref<311296x16xf32, #tpu.memory_space<hbm>>) target(%dma_start3A_5 : memref<128x16xf32, #tpu.memory_space<vmem>>) offsets(%dma_start3A_8 : memref<128xi32, #tpu.memory_space<vmem>>) semaphore(%arg9 : memref<!tpu.dma_semaphore, #tpu.memory_space<semaphore_mem>>)
    %scan3A = arith.constant 0 : i32
    %scan3A_12 = arith.constant 0 : i32
    %scan3A_13 = arith.constant 6 : i32
    %scan3A_14 = arith.addi %scan3A_12, %scan3A_13 : i32
    %scan3A_15 = arith.constant 1 : i32
    scf.for %scan3A_28 = %scan3A_12 to %scan3A_14 step %scan3A_15  : i32 {
      %rem3A = arith.constant 2 : i32
      %rem3A_29 = arith.remsi %scan3A_28, %rem3A : i32
      %add3A_30 = arith.constant 1 : i32
      %add3A_31 = arith.addi %scan3A_28, %add3A_30 : i32
      %rem3A_32 = arith.constant 2 : i32
      %rem3A_33 = arith.remsi %add3A_31, %rem3A_32 : i32
      %gt3A = arith.constant 0 : i32
      %gt3A_34 = arith.cmpi sgt, %scan3A_28, %gt3A : i32
      %convert_element_type3A = arith.extui %gt3A_34 : i1 to i32
      %cond3A = arith.constant 0 : i32
      %cond3A_35 = arith.cmpi ne, %convert_element_type3A, %cond3A : i32
      scf.if %cond3A_35 {
        %dma_wait3A_63 = arith.constant 0 : i32
        %dma_wait3A_64 = arith.constant 0 : i32
        %dma_wait3A_65 = tpu.memref_slice %arg8[%rem3A_33, %dma_wait3A_63, %dma_wait3A_64] : memref<2x128x16xf32, #tpu.memory_space<vmem>> -> memref<1x128x16xf32, #tpu.memory_space<vmem>>
        %dma_wait3A_66 = tpu.memref_squeeze %dma_wait3A_65 : memref<1x128x16xf32, #tpu.memory_space<vmem>> -> memref<128x16xf32, #tpu.memory_space<vmem>>
        %dma_wait3A_67 = arith.constant 0 : i32
        %dma_wait3A_68 = tpu.memref_slice %arg7[%scan3A_28, %dma_wait3A_67] : memref<6x128xi32, #tpu.memory_space<vmem>> -> memref<1x128xi32, #tpu.memory_space<vmem>>
        %dma_wait3A_69 = tpu.memref_squeeze %dma_wait3A_68 : memref<1x128xi32, #tpu.memory_space<vmem>> -> memref<128xi32, #tpu.memory_space<vmem>>
        %dma_wait3A_70 = arith.constant 0 : i32
        %dma_wait3A_71 = arith.constant 0 : i32
        %dma_wait3A_72 = tpu.memref_slice %arg5[%dma_wait3A_70, %dma_wait3A_71] : memref<65536x16xf32, #tpu.memory_space<hbm>> -> memref<65536x16xf32, #tpu.memory_space<hbm>>
        tpu.wait_indirect_dma semaphore(%arg10 : memref<!tpu.dma_semaphore, #tpu.memory_space<semaphore_mem>>) src(%dma_wait3A_66 : memref<128x16xf32, #tpu.memory_space<vmem>>) dst(%dma_wait3A_72 : memref<65536x16xf32, #tpu.memory_space<hbm>>)
      } else {
      }
      %add3A_36 = arith.constant 1 : i32
      %add3A_37 = arith.addi %scan3A_28, %add3A_36 : i32
      %lt3A = arith.constant 6 : i32
      %lt3A_38 = arith.cmpi slt, %add3A_37, %lt3A : i32
      %convert_element_type3A_39 = arith.extui %lt3A_38 : i1 to i32
      %cond3A_40 = arith.constant 0 : i32
      %cond3A_41 = arith.cmpi ne, %convert_element_type3A_39, %cond3A_40 : i32
      scf.if %cond3A_41 {
        %add3A_63 = arith.constant 1 : i32
        %add3A_64 = arith.addi %scan3A_28, %add3A_63 : i32
        %dma_start3A_65 = arith.constant 0 : i32
        %dma_start3A_66 = arith.constant 0 : i32
        %dma_start3A_67 = tpu.memref_slice %arg8[%rem3A_33, %dma_start3A_65, %dma_start3A_66] : memref<2x128x16xf32, #tpu.memory_space<vmem>> -> memref<1x128x16xf32, #tpu.memory_space<vmem>>
        %dma_start3A_68 = tpu.memref_squeeze %dma_start3A_67 : memref<1x128x16xf32, #tpu.memory_space<vmem>> -> memref<128x16xf32, #tpu.memory_space<vmem>>
        %dma_start3A_69 = arith.constant 0 : i32
        %dma_start3A_70 = tpu.memref_slice %arg6[%add3A_64, %dma_start3A_69] : memref<6x128xi32, #tpu.memory_space<vmem>> -> memref<1x128xi32, #tpu.memory_space<vmem>>
        %dma_start3A_71 = tpu.memref_squeeze %dma_start3A_70 : memref<1x128xi32, #tpu.memory_space<vmem>> -> memref<128xi32, #tpu.memory_space<vmem>>
        %dma_start3A_72 = arith.constant 0 : i32
        %dma_start3A_73 = arith.constant 0 : i32
        %dma_start3A_74 = tpu.memref_slice %arg2[%dma_start3A_72, %dma_start3A_73] : memref<311296x16xf32, #tpu.memory_space<hbm>> -> memref<311296x16xf32, #tpu.memory_space<hbm>>
        tpu.enqueue_indirect_dma source(%dma_start3A_74 : memref<311296x16xf32, #tpu.memory_space<hbm>>) target(%dma_start3A_68 : memref<128x16xf32, #tpu.memory_space<vmem>>) offsets(%dma_start3A_71 : memref<128xi32, #tpu.memory_space<vmem>>) semaphore(%arg9 : memref<!tpu.dma_semaphore, #tpu.memory_space<semaphore_mem>>)
      } else {
      }
      %dma_wait3A_42 = arith.constant 0 : i32
      %dma_wait3A_43 = arith.constant 0 : i32
      %dma_wait3A_44 = arith.constant 0 : i32
      %dma_wait3A_45 = tpu.memref_slice %arg8[%rem3A_29, %dma_wait3A_43, %dma_wait3A_44] : memref<2x128x16xf32, #tpu.memory_space<vmem>> -> memref<1x128x16xf32, #tpu.memory_space<vmem>>
      %dma_wait3A_46 = tpu.memref_squeeze %dma_wait3A_45 : memref<1x128x16xf32, #tpu.memory_space<vmem>> -> memref<128x16xf32, #tpu.memory_space<vmem>>
      %dma_wait3A_47 = arith.constant 0 : i32
      %dma_wait3A_48 = tpu.memref_slice %arg6[%dma_wait3A_42, %dma_wait3A_47] : memref<6x128xi32, #tpu.memory_space<vmem>> -> memref<1x128xi32, #tpu.memory_space<vmem>>
      %dma_wait3A_49 = tpu.memref_squeeze %dma_wait3A_48 : memref<1x128xi32, #tpu.memory_space<vmem>> -> memref<128xi32, #tpu.memory_space<vmem>>
      %dma_wait3A_50 = arith.constant 0 : i32
      %dma_wait3A_51 = arith.constant 0 : i32
      %dma_wait3A_52 = tpu.memref_slice %arg2[%dma_wait3A_50, %dma_wait3A_51] : memref<311296x16xf32, #tpu.memory_space<hbm>> -> memref<311296x16xf32, #tpu.memory_space<hbm>>
      tpu.wait_indirect_dma semaphore(%arg9 : memref<!tpu.dma_semaphore, #tpu.memory_space<semaphore_mem>>) src(%dma_wait3A_52 : memref<311296x16xf32, #tpu.memory_space<hbm>>) dst(%dma_wait3A_46 : memref<128x16xf32, #tpu.memory_space<vmem>>)
      %dma_start3A_53 = arith.constant 0 : i32
      %dma_start3A_54 = arith.constant 0 : i32
      %dma_start3A_55 = tpu.memref_slice %arg8[%rem3A_29, %dma_start3A_53, %dma_start3A_54] : memref<2x128x16xf32, #tpu.memory_space<vmem>> -> memref<1x128x16xf32, #tpu.memory_space<vmem>>
      %dma_start3A_56 = tpu.memref_squeeze %dma_start3A_55 : memref<1x128x16xf32, #tpu.memory_space<vmem>> -> memref<128x16xf32, #tpu.memory_space<vmem>>
      %dma_start3A_57 = arith.constant 0 : i32
      %dma_start3A_58 = tpu.memref_slice %arg7[%scan3A_28, %dma_start3A_57] : memref<6x128xi32, #tpu.memory_space<vmem>> -> memref<1x128xi32, #tpu.memory_space<vmem>>
      %dma_start3A_59 = tpu.memref_squeeze %dma_start3A_58 : memref<1x128xi32, #tpu.memory_space<vmem>> -> memref<128xi32, #tpu.memory_space<vmem>>
      %dma_start3A_60 = arith.constant 0 : i32
      %dma_start3A_61 = arith.constant 0 : i32
      %dma_start3A_62 = tpu.memref_slice %arg5[%dma_start3A_60, %dma_start3A_61] : memref<65536x16xf32, #tpu.memory_space<hbm>> -> memref<65536x16xf32, #tpu.memory_space<hbm>>
      tpu.enqueue_indirect_dma source(%dma_start3A_56 : memref<128x16xf32, #tpu.memory_space<vmem>>) target(%dma_start3A_62 : memref<65536x16xf32, #tpu.memory_space<hbm>>) offsets(%dma_start3A_59 : memref<128xi32, #tpu.memory_space<vmem>>) semaphore(%arg10 : memref<!tpu.dma_semaphore, #tpu.memory_space<semaphore_mem>>)
    }
    %scan3A_16 = arith.constant 6 : i32
    %dma_wait3A = arith.constant 0 : i32
    %dma_wait3A_17 = arith.constant 0 : i32
    %dma_wait3A_18 = arith.constant 0 : i32
    %dma_wait3A_19 = arith.constant 0 : i32
    %dma_wait3A_20 = tpu.memref_slice %arg8[%dma_wait3A, %dma_wait3A_18, %dma_wait3A_19] : memref<2x128x16xf32, #tpu.memory_space<vmem>> -> memref<1x128x16xf32, #tpu.memory_space<vmem>>
    %dma_wait3A_21 = tpu.memref_squeeze %dma_wait3A_20 : memref<1x128x16xf32, #tpu.memory_space<vmem>> -> memref<128x16xf32, #tpu.memory_space<vmem>>
    %dma_wait3A_22 = arith.constant 0 : i32
    %dma_wait3A_23 = tpu.memref_slice %arg7[%dma_wait3A_17, %dma_wait3A_22] : memref<6x128xi32, #tpu.memory_space<vmem>> -> memref<1x128xi32, #tpu.memory_space<vmem>>
    %dma_wait3A_24 = tpu.memref_squeeze %dma_wait3A_23 : memref<1x128xi32, #tpu.memory_space<vmem>> -> memref<128xi32, #tpu.memory_space<vmem>>
    %dma_wait3A_25 = arith.constant 0 : i32
    %dma_wait3A_26 = arith.constant 0 : i32
    %dma_wait3A_27 = tpu.memref_slice %arg5[%dma_wait3A_25, %dma_wait3A_26] : memref<65536x16xf32, #tpu.memory_space<hbm>> -> memref<65536x16xf32, #tpu.memory_space<hbm>>
    tpu.wait_indirect_dma semaphore(%arg10 : memref<!tpu.dma_semaphore, #tpu.memory_space<semaphore_mem>>) src(%dma_wait3A_21 : memref<128x16xf32, #tpu.memory_space<vmem>>) dst(%dma_wait3A_27 : memref<65536x16xf32, #tpu.memory_space<hbm>>)
    return
  }
}

#map = affine_map<(d0, d1) -> (0, 0)>
#map1 = affine_map<(d0, d1) -> (0, 0, 0)>
module attributes {stable_mosaic.version = 14 : i64} {
  func.func @k(%arg0: i32, %arg1: i32, %arg2: memref<606208x16xf32, #tpu.memory_space<hbm>>, %arg3: memref<32x24x128xi32, #tpu.memory_space<hbm>>, %arg4: memref<32x24x128xi32, #tpu.memory_space<hbm>>, %arg5: memref<131072x16xf32, #tpu.memory_space<hbm>>, %arg6: memref<24x128xi32, #tpu.memory_space<vmem>>, %arg7: memref<24x128xi32, #tpu.memory_space<vmem>>, %arg8: memref<2x128x16xf32, #tpu.memory_space<vmem>>, %arg9: memref<!tpu.dma_semaphore, #tpu.memory_space<semaphore_mem>>, %arg10: memref<!tpu.dma_semaphore, #tpu.memory_space<semaphore_mem>>) attributes {dimension_semantics = [#tpu.dimension_semantics<core_parallel>, #tpu.dimension_semantics<subcore_parallel>], iteration_bounds = array<i64: 2, 16>, scalar_prefetch = 0 : i64, scratch_operands = 5 : i64, tpu.core_type = #tpu.core_type<sc_vector_subcore>, window_params = [{transform_indices = #map}, {transform_indices = #map1}, {transform_indices = #map1}, {transform_indices = #map}]} {
    %mul3A = arith.constant 2 : i32
    %mul3A_0 = arith.muli %arg1, %mul3A : i32
    %add3A = arith.addi %mul3A_0, %arg0 : i32
    "tpu.region"() ({
      %run_scoped3A = tpu.sem_alloc : memref<!tpu.dma_semaphore, #tpu.memory_space<semaphore_mem>>
      %dma_start3A_28 = arith.constant 0 : i32
      %dma_start3A_29 = arith.constant 0 : i32
      %dma_start3A_30 = tpu.memref_slice %arg3[%add3A, %dma_start3A_28, %dma_start3A_29] : memref<32x24x128xi32, #tpu.memory_space<hbm>> -> memref<1x24x128xi32, #tpu.memory_space<hbm>>
      %dma_start3A_31 = tpu.memref_squeeze %dma_start3A_30 : memref<1x24x128xi32, #tpu.memory_space<hbm>> -> memref<24x128xi32, #tpu.memory_space<hbm>>
      %dma_start3A_32 = arith.constant 0 : i32
      %dma_start3A_33 = arith.constant 0 : i32
      %dma_start3A_34 = tpu.memref_slice %arg3[%add3A, %dma_start3A_32, %dma_start3A_33] : memref<32x24x128xi32, #tpu.memory_space<hbm>> -> memref<1x24x128xi32, #tpu.memory_space<hbm>>
      %dma_start3A_35 = tpu.memref_squeeze %dma_start3A_34 : memref<1x24x128xi32, #tpu.memory_space<hbm>> -> memref<24x128xi32, #tpu.memory_space<hbm>>
      tpu.enqueue_dma source(%dma_start3A_35 : memref<24x128xi32, #tpu.memory_space<hbm>>) target(%arg6 : memref<24x128xi32, #tpu.memory_space<vmem>>) target_semaphore(%run_scoped3A : memref<!tpu.dma_semaphore, #tpu.memory_space<semaphore_mem>>)
      %dma_wait3A_36 = arith.constant 0 : i32
      %dma_wait3A_37 = arith.constant 0 : i32
      %dma_wait3A_38 = tpu.memref_slice %arg3[%add3A, %dma_wait3A_36, %dma_wait3A_37] : memref<32x24x128xi32, #tpu.memory_space<hbm>> -> memref<1x24x128xi32, #tpu.memory_space<hbm>>
      %dma_wait3A_39 = tpu.memref_squeeze %dma_wait3A_38 : memref<1x24x128xi32, #tpu.memory_space<hbm>> -> memref<24x128xi32, #tpu.memory_space<hbm>>
      %dma_wait3A_40 = arith.constant 0 : i32
      %dma_wait3A_41 = arith.constant 0 : i32
      %dma_wait3A_42 = tpu.memref_slice %arg3[%add3A, %dma_wait3A_40, %dma_wait3A_41] : memref<32x24x128xi32, #tpu.memory_space<hbm>> -> memref<1x24x128xi32, #tpu.memory_space<hbm>>
      %dma_wait3A_43 = tpu.memref_squeeze %dma_wait3A_42 : memref<1x24x128xi32, #tpu.memory_space<hbm>> -> memref<24x128xi32, #tpu.memory_space<hbm>>
      tpu.wait_dma2 semaphore(%run_scoped3A : memref<!tpu.dma_semaphore, #tpu.memory_space<semaphore_mem>>) src(%dma_wait3A_43 : memref<24x128xi32, #tpu.memory_space<hbm>>) dst(%arg6 : memref<24x128xi32, #tpu.memory_space<vmem>>)
      tpu.yield
    }) : () -> ()
    "tpu.region"() ({
      %run_scoped3A = tpu.sem_alloc : memref<!tpu.dma_semaphore, #tpu.memory_space<semaphore_mem>>
      %dma_start3A_28 = arith.constant 0 : i32
      %dma_start3A_29 = arith.constant 0 : i32
      %dma_start3A_30 = tpu.memref_slice %arg4[%add3A, %dma_start3A_28, %dma_start3A_29] : memref<32x24x128xi32, #tpu.memory_space<hbm>> -> memref<1x24x128xi32, #tpu.memory_space<hbm>>
      %dma_start3A_31 = tpu.memref_squeeze %dma_start3A_30 : memref<1x24x128xi32, #tpu.memory_space<hbm>> -> memref<24x128xi32, #tpu.memory_space<hbm>>
      %dma_start3A_32 = arith.constant 0 : i32
      %dma_start3A_33 = arith.constant 0 : i32
      %dma_start3A_34 = tpu.memref_slice %arg4[%add3A, %dma_start3A_32, %dma_start3A_33] : memref<32x24x128xi32, #tpu.memory_space<hbm>> -> memref<1x24x128xi32, #tpu.memory_space<hbm>>
      %dma_start3A_35 = tpu.memref_squeeze %dma_start3A_34 : memref<1x24x128xi32, #tpu.memory_space<hbm>> -> memref<24x128xi32, #tpu.memory_space<hbm>>
      tpu.enqueue_dma source(%dma_start3A_35 : memref<24x128xi32, #tpu.memory_space<hbm>>) target(%arg7 : memref<24x128xi32, #tpu.memory_space<vmem>>) target_semaphore(%run_scoped3A : memref<!tpu.dma_semaphore, #tpu.memory_space<semaphore_mem>>)
      %dma_wait3A_36 = arith.constant 0 : i32
      %dma_wait3A_37 = arith.constant 0 : i32
      %dma_wait3A_38 = tpu.memref_slice %arg4[%add3A, %dma_wait3A_36, %dma_wait3A_37] : memref<32x24x128xi32, #tpu.memory_space<hbm>> -> memref<1x24x128xi32, #tpu.memory_space<hbm>>
      %dma_wait3A_39 = tpu.memref_squeeze %dma_wait3A_38 : memref<1x24x128xi32, #tpu.memory_space<hbm>> -> memref<24x128xi32, #tpu.memory_space<hbm>>
      %dma_wait3A_40 = arith.constant 0 : i32
      %dma_wait3A_41 = arith.constant 0 : i32
      %dma_wait3A_42 = tpu.memref_slice %arg4[%add3A, %dma_wait3A_40, %dma_wait3A_41] : memref<32x24x128xi32, #tpu.memory_space<hbm>> -> memref<1x24x128xi32, #tpu.memory_space<hbm>>
      %dma_wait3A_43 = tpu.memref_squeeze %dma_wait3A_42 : memref<1x24x128xi32, #tpu.memory_space<hbm>> -> memref<24x128xi32, #tpu.memory_space<hbm>>
      tpu.wait_dma2 semaphore(%run_scoped3A : memref<!tpu.dma_semaphore, #tpu.memory_space<semaphore_mem>>) src(%dma_wait3A_43 : memref<24x128xi32, #tpu.memory_space<hbm>>) dst(%arg7 : memref<24x128xi32, #tpu.memory_space<vmem>>)
      tpu.yield
    }) : () -> ()
    %dma_start3A = arith.constant 0 : i32
    %dma_start3A_1 = arith.constant 0 : i32
    %dma_start3A_2 = arith.constant 0 : i32
    %dma_start3A_3 = arith.constant 0 : i32
    %dma_start3A_4 = tpu.memref_slice %arg8[%dma_start3A_1, %dma_start3A_2, %dma_start3A_3] : memref<2x128x16xf32, #tpu.memory_space<vmem>> -> memref<1x128x16xf32, #tpu.memory_space<vmem>>
    %dma_start3A_5 = tpu.memref_squeeze %dma_start3A_4 : memref<1x128x16xf32, #tpu.memory_space<vmem>> -> memref<128x16xf32, #tpu.memory_space<vmem>>
    %dma_start3A_6 = arith.constant 0 : i32
    %dma_start3A_7 = tpu.memref_slice %arg6[%dma_start3A, %dma_start3A_6] : memref<24x128xi32, #tpu.memory_space<vmem>> -> memref<1x128xi32, #tpu.memory_space<vmem>>
    %dma_start3A_8 = tpu.memref_squeeze %dma_start3A_7 : memref<1x128xi32, #tpu.memory_space<vmem>> -> memref<128xi32, #tpu.memory_space<vmem>>
    %dma_start3A_9 = arith.constant 0 : i32
    %dma_start3A_10 = arith.constant 0 : i32
    %dma_start3A_11 = tpu.memref_slice %arg2[%dma_start3A_9, %dma_start3A_10] : memref<606208x16xf32, #tpu.memory_space<hbm>> -> memref<606208x16xf32, #tpu.memory_space<hbm>>
    tpu.enqueue_indirect_dma source(%dma_start3A_11 : memref<606208x16xf32, #tpu.memory_space<hbm>>) target(%dma_start3A_5 : memref<128x16xf32, #tpu.memory_space<vmem>>) offsets(%dma_start3A_8 : memref<128xi32, #tpu.memory_space<vmem>>) semaphore(%arg9 : memref<!tpu.dma_semaphore, #tpu.memory_space<semaphore_mem>>)
    %scan3A = arith.constant 0 : i32
    %scan3A_12 = arith.constant 0 : i32
    %scan3A_13 = arith.constant 24 : i32
    %scan3A_14 = arith.addi %scan3A_12, %scan3A_13 : i32
    %scan3A_15 = arith.constant 1 : i32
    scf.for %scan3A_28 = %scan3A_12 to %scan3A_14 step %scan3A_15  : i32 {
      %rem3A = arith.constant 2 : i32
      %rem3A_29 = arith.remsi %scan3A_28, %rem3A : i32
      %add3A_30 = arith.constant 1 : i32
      %add3A_31 = arith.addi %scan3A_28, %add3A_30 : i32
      %rem3A_32 = arith.constant 2 : i32
      %rem3A_33 = arith.remsi %add3A_31, %rem3A_32 : i32
      %gt3A = arith.constant 0 : i32
      %gt3A_34 = arith.cmpi sgt, %scan3A_28, %gt3A : i32
      %convert_element_type3A = arith.extui %gt3A_34 : i1 to i32
      %cond3A = arith.constant 0 : i32
      %cond3A_35 = arith.cmpi ne, %convert_element_type3A, %cond3A : i32
      scf.if %cond3A_35 {
        %dma_wait3A_63 = arith.constant 0 : i32
        %dma_wait3A_64 = arith.constant 0 : i32
        %dma_wait3A_65 = tpu.memref_slice %arg8[%rem3A_33, %dma_wait3A_63, %dma_wait3A_64] : memref<2x128x16xf32, #tpu.memory_space<vmem>> -> memref<1x128x16xf32, #tpu.memory_space<vmem>>
        %dma_wait3A_66 = tpu.memref_squeeze %dma_wait3A_65 : memref<1x128x16xf32, #tpu.memory_space<vmem>> -> memref<128x16xf32, #tpu.memory_space<vmem>>
        %dma_wait3A_67 = arith.constant 0 : i32
        %dma_wait3A_68 = tpu.memref_slice %arg7[%scan3A_28, %dma_wait3A_67] : memref<24x128xi32, #tpu.memory_space<vmem>> -> memref<1x128xi32, #tpu.memory_space<vmem>>
        %dma_wait3A_69 = tpu.memref_squeeze %dma_wait3A_68 : memref<1x128xi32, #tpu.memory_space<vmem>> -> memref<128xi32, #tpu.memory_space<vmem>>
        %dma_wait3A_70 = arith.constant 0 : i32
        %dma_wait3A_71 = arith.constant 0 : i32
        %dma_wait3A_72 = tpu.memref_slice %arg5[%dma_wait3A_70, %dma_wait3A_71] : memref<131072x16xf32, #tpu.memory_space<hbm>> -> memref<131072x16xf32, #tpu.memory_space<hbm>>
        tpu.wait_indirect_dma semaphore(%arg10 : memref<!tpu.dma_semaphore, #tpu.memory_space<semaphore_mem>>) src(%dma_wait3A_66 : memref<128x16xf32, #tpu.memory_space<vmem>>) dst(%dma_wait3A_72 : memref<131072x16xf32, #tpu.memory_space<hbm>>)
      } else {
      }
      %add3A_36 = arith.constant 1 : i32
      %add3A_37 = arith.addi %scan3A_28, %add3A_36 : i32
      %lt3A = arith.constant 24 : i32
      %lt3A_38 = arith.cmpi slt, %add3A_37, %lt3A : i32
      %convert_element_type3A_39 = arith.extui %lt3A_38 : i1 to i32
      %cond3A_40 = arith.constant 0 : i32
      %cond3A_41 = arith.cmpi ne, %convert_element_type3A_39, %cond3A_40 : i32
      scf.if %cond3A_41 {
        %add3A_63 = arith.constant 1 : i32
        %add3A_64 = arith.addi %scan3A_28, %add3A_63 : i32
        %dma_start3A_65 = arith.constant 0 : i32
        %dma_start3A_66 = arith.constant 0 : i32
        %dma_start3A_67 = tpu.memref_slice %arg8[%rem3A_33, %dma_start3A_65, %dma_start3A_66] : memref<2x128x16xf32, #tpu.memory_space<vmem>> -> memref<1x128x16xf32, #tpu.memory_space<vmem>>
        %dma_start3A_68 = tpu.memref_squeeze %dma_start3A_67 : memref<1x128x16xf32, #tpu.memory_space<vmem>> -> memref<128x16xf32, #tpu.memory_space<vmem>>
        %dma_start3A_69 = arith.constant 0 : i32
        %dma_start3A_70 = tpu.memref_slice %arg6[%add3A_64, %dma_start3A_69] : memref<24x128xi32, #tpu.memory_space<vmem>> -> memref<1x128xi32, #tpu.memory_space<vmem>>
        %dma_start3A_71 = tpu.memref_squeeze %dma_start3A_70 : memref<1x128xi32, #tpu.memory_space<vmem>> -> memref<128xi32, #tpu.memory_space<vmem>>
        %dma_start3A_72 = arith.constant 0 : i32
        %dma_start3A_73 = arith.constant 0 : i32
        %dma_start3A_74 = tpu.memref_slice %arg2[%dma_start3A_72, %dma_start3A_73] : memref<606208x16xf32, #tpu.memory_space<hbm>> -> memref<606208x16xf32, #tpu.memory_space<hbm>>
        tpu.enqueue_indirect_dma source(%dma_start3A_74 : memref<606208x16xf32, #tpu.memory_space<hbm>>) target(%dma_start3A_68 : memref<128x16xf32, #tpu.memory_space<vmem>>) offsets(%dma_start3A_71 : memref<128xi32, #tpu.memory_space<vmem>>) semaphore(%arg9 : memref<!tpu.dma_semaphore, #tpu.memory_space<semaphore_mem>>)
      } else {
      }
      %dma_wait3A_42 = arith.constant 0 : i32
      %dma_wait3A_43 = arith.constant 0 : i32
      %dma_wait3A_44 = arith.constant 0 : i32
      %dma_wait3A_45 = tpu.memref_slice %arg8[%rem3A_29, %dma_wait3A_43, %dma_wait3A_44] : memref<2x128x16xf32, #tpu.memory_space<vmem>> -> memref<1x128x16xf32, #tpu.memory_space<vmem>>
      %dma_wait3A_46 = tpu.memref_squeeze %dma_wait3A_45 : memref<1x128x16xf32, #tpu.memory_space<vmem>> -> memref<128x16xf32, #tpu.memory_space<vmem>>
      %dma_wait3A_47 = arith.constant 0 : i32
      %dma_wait3A_48 = tpu.memref_slice %arg6[%dma_wait3A_42, %dma_wait3A_47] : memref<24x128xi32, #tpu.memory_space<vmem>> -> memref<1x128xi32, #tpu.memory_space<vmem>>
      %dma_wait3A_49 = tpu.memref_squeeze %dma_wait3A_48 : memref<1x128xi32, #tpu.memory_space<vmem>> -> memref<128xi32, #tpu.memory_space<vmem>>
      %dma_wait3A_50 = arith.constant 0 : i32
      %dma_wait3A_51 = arith.constant 0 : i32
      %dma_wait3A_52 = tpu.memref_slice %arg2[%dma_wait3A_50, %dma_wait3A_51] : memref<606208x16xf32, #tpu.memory_space<hbm>> -> memref<606208x16xf32, #tpu.memory_space<hbm>>
      tpu.wait_indirect_dma semaphore(%arg9 : memref<!tpu.dma_semaphore, #tpu.memory_space<semaphore_mem>>) src(%dma_wait3A_52 : memref<606208x16xf32, #tpu.memory_space<hbm>>) dst(%dma_wait3A_46 : memref<128x16xf32, #tpu.memory_space<vmem>>)
      %dma_start3A_53 = arith.constant 0 : i32
      %dma_start3A_54 = arith.constant 0 : i32
      %dma_start3A_55 = tpu.memref_slice %arg8[%rem3A_29, %dma_start3A_53, %dma_start3A_54] : memref<2x128x16xf32, #tpu.memory_space<vmem>> -> memref<1x128x16xf32, #tpu.memory_space<vmem>>
      %dma_start3A_56 = tpu.memref_squeeze %dma_start3A_55 : memref<1x128x16xf32, #tpu.memory_space<vmem>> -> memref<128x16xf32, #tpu.memory_space<vmem>>
      %dma_start3A_57 = arith.constant 0 : i32
      %dma_start3A_58 = tpu.memref_slice %arg7[%scan3A_28, %dma_start3A_57] : memref<24x128xi32, #tpu.memory_space<vmem>> -> memref<1x128xi32, #tpu.memory_space<vmem>>
      %dma_start3A_59 = tpu.memref_squeeze %dma_start3A_58 : memref<1x128xi32, #tpu.memory_space<vmem>> -> memref<128xi32, #tpu.memory_space<vmem>>
      %dma_start3A_60 = arith.constant 0 : i32
      %dma_start3A_61 = arith.constant 0 : i32
      %dma_start3A_62 = tpu.memref_slice %arg5[%dma_start3A_60, %dma_start3A_61] : memref<131072x16xf32, #tpu.memory_space<hbm>> -> memref<131072x16xf32, #tpu.memory_space<hbm>>
      tpu.enqueue_indirect_dma source(%dma_start3A_56 : memref<128x16xf32, #tpu.memory_space<vmem>>) target(%dma_start3A_62 : memref<131072x16xf32, #tpu.memory_space<hbm>>) offsets(%dma_start3A_59 : memref<128xi32, #tpu.memory_space<vmem>>) semaphore(%arg10 : memref<!tpu.dma_semaphore, #tpu.memory_space<semaphore_mem>>)
    }
    %scan3A_16 = arith.constant 24 : i32
    %dma_wait3A = arith.constant 0 : i32
    %dma_wait3A_17 = arith.constant 0 : i32
    %dma_wait3A_18 = arith.constant 0 : i32
    %dma_wait3A_19 = arith.constant 0 : i32
    %dma_wait3A_20 = tpu.memref_slice %arg8[%dma_wait3A, %dma_wait3A_18, %dma_wait3A_19] : memref<2x128x16xf32, #tpu.memory_space<vmem>> -> memref<1x128x16xf32, #tpu.memory_space<vmem>>
    %dma_wait3A_21 = tpu.memref_squeeze %dma_wait3A_20 : memref<1x128x16xf32, #tpu.memory_space<vmem>> -> memref<128x16xf32, #tpu.memory_space<vmem>>
    %dma_wait3A_22 = arith.constant 0 : i32
    %dma_wait3A_23 = tpu.memref_slice %arg7[%dma_wait3A_17, %dma_wait3A_22] : memref<24x128xi32, #tpu.memory_space<vmem>> -> memref<1x128xi32, #tpu.memory_space<vmem>>
    %dma_wait3A_24 = tpu.memref_squeeze %dma_wait3A_23 : memref<1x128xi32, #tpu.memory_space<vmem>> -> memref<128xi32, #tpu.memory_space<vmem>>
    %dma_wait3A_25 = arith.constant 0 : i32
    %dma_wait3A_26 = arith.constant 0 : i32
    %dma_wait3A_27 = tpu.memref_slice %arg5[%dma_wait3A_25, %dma_wait3A_26] : memref<131072x16xf32, #tpu.memory_space<hbm>> -> memref<131072x16xf32, #tpu.memory_space<hbm>>
    tpu.wait_indirect_dma semaphore(%arg10 : memref<!tpu.dma_semaphore, #tpu.memory_space<semaphore_mem>>) src(%dma_wait3A_21 : memref<128x16xf32, #tpu.memory_space<vmem>>) dst(%dma_wait3A_27 : memref<131072x16xf32, #tpu.memory_space<hbm>>)
    return
  }
}

#map = affine_map<(d0, d1) -> (0, 0)>
#map1 = affine_map<(d0, d1) -> (0, 0, 0)>
module attributes {stable_mosaic.version = 14 : i64} {
  func.func @k(%arg0: i32, %arg1: i32, %arg2: memref<311296x16xf32, #tpu.memory_space<hbm>>, %arg3: memref<32x6x128xi32, #tpu.memory_space<hbm>>, %arg4: memref<32x6x128xi32, #tpu.memory_space<hbm>>, %arg5: memref<65536x16xf32, #tpu.memory_space<hbm>>, %arg6: memref<6x128xi32, #tpu.memory_space<vmem>>, %arg7: memref<6x128xi32, #tpu.memory_space<vmem>>, %arg8: memref<2x128x16xf32, #tpu.memory_space<vmem>>, %arg9: memref<!tpu.dma_semaphore, #tpu.memory_space<semaphore_mem>>, %arg10: memref<!tpu.dma_semaphore, #tpu.memory_space<semaphore_mem>>) attributes {dimension_semantics = [#tpu.dimension_semantics<core_parallel>, #tpu.dimension_semantics<subcore_parallel>], iteration_bounds = array<i64: 2, 16>, scalar_prefetch = 0 : i64, scratch_operands = 5 : i64, tpu.core_type = #tpu.core_type<sc_vector_subcore>, window_params = [{transform_indices = #map}, {transform_indices = #map1}, {transform_indices = #map1}, {transform_indices = #map}]} {
    %mul3A = arith.constant 2 : i32
    %mul3A_0 = arith.muli %arg1, %mul3A : i32
    %add3A = arith.addi %mul3A_0, %arg0 : i32
    "tpu.region"() ({
      %run_scoped3A = tpu.sem_alloc : memref<!tpu.dma_semaphore, #tpu.memory_space<semaphore_mem>>
      %dma_start3A_28 = arith.constant 0 : i32
      %dma_start3A_29 = arith.constant 0 : i32
      %dma_start3A_30 = tpu.memref_slice %arg3[%add3A, %dma_start3A_28, %dma_start3A_29] : memref<32x6x128xi32, #tpu.memory_space<hbm>> -> memref<1x6x128xi32, #tpu.memory_space<hbm>>
      %dma_start3A_31 = tpu.memref_squeeze %dma_start3A_30 : memref<1x6x128xi32, #tpu.memory_space<hbm>> -> memref<6x128xi32, #tpu.memory_space<hbm>>
      %dma_start3A_32 = arith.constant 0 : i32
      %dma_start3A_33 = arith.constant 0 : i32
      %dma_start3A_34 = tpu.memref_slice %arg3[%add3A, %dma_start3A_32, %dma_start3A_33] : memref<32x6x128xi32, #tpu.memory_space<hbm>> -> memref<1x6x128xi32, #tpu.memory_space<hbm>>
      %dma_start3A_35 = tpu.memref_squeeze %dma_start3A_34 : memref<1x6x128xi32, #tpu.memory_space<hbm>> -> memref<6x128xi32, #tpu.memory_space<hbm>>
      tpu.enqueue_dma source(%dma_start3A_35 : memref<6x128xi32, #tpu.memory_space<hbm>>) target(%arg6 : memref<6x128xi32, #tpu.memory_space<vmem>>) target_semaphore(%run_scoped3A : memref<!tpu.dma_semaphore, #tpu.memory_space<semaphore_mem>>)
      %dma_wait3A_36 = arith.constant 0 : i32
      %dma_wait3A_37 = arith.constant 0 : i32
      %dma_wait3A_38 = tpu.memref_slice %arg3[%add3A, %dma_wait3A_36, %dma_wait3A_37] : memref<32x6x128xi32, #tpu.memory_space<hbm>> -> memref<1x6x128xi32, #tpu.memory_space<hbm>>
      %dma_wait3A_39 = tpu.memref_squeeze %dma_wait3A_38 : memref<1x6x128xi32, #tpu.memory_space<hbm>> -> memref<6x128xi32, #tpu.memory_space<hbm>>
      %dma_wait3A_40 = arith.constant 0 : i32
      %dma_wait3A_41 = arith.constant 0 : i32
      %dma_wait3A_42 = tpu.memref_slice %arg3[%add3A, %dma_wait3A_40, %dma_wait3A_41] : memref<32x6x128xi32, #tpu.memory_space<hbm>> -> memref<1x6x128xi32, #tpu.memory_space<hbm>>
      %dma_wait3A_43 = tpu.memref_squeeze %dma_wait3A_42 : memref<1x6x128xi32, #tpu.memory_space<hbm>> -> memref<6x128xi32, #tpu.memory_space<hbm>>
      tpu.wait_dma2 semaphore(%run_scoped3A : memref<!tpu.dma_semaphore, #tpu.memory_space<semaphore_mem>>) src(%dma_wait3A_43 : memref<6x128xi32, #tpu.memory_space<hbm>>) dst(%arg6 : memref<6x128xi32, #tpu.memory_space<vmem>>)
      tpu.yield
    }) : () -> ()
    "tpu.region"() ({
      %run_scoped3A = tpu.sem_alloc : memref<!tpu.dma_semaphore, #tpu.memory_space<semaphore_mem>>
      %dma_start3A_28 = arith.constant 0 : i32
      %dma_start3A_29 = arith.constant 0 : i32
      %dma_start3A_30 = tpu.memref_slice %arg4[%add3A, %dma_start3A_28, %dma_start3A_29] : memref<32x6x128xi32, #tpu.memory_space<hbm>> -> memref<1x6x128xi32, #tpu.memory_space<hbm>>
      %dma_start3A_31 = tpu.memref_squeeze %dma_start3A_30 : memref<1x6x128xi32, #tpu.memory_space<hbm>> -> memref<6x128xi32, #tpu.memory_space<hbm>>
      %dma_start3A_32 = arith.constant 0 : i32
      %dma_start3A_33 = arith.constant 0 : i32
      %dma_start3A_34 = tpu.memref_slice %arg4[%add3A, %dma_start3A_32, %dma_start3A_33] : memref<32x6x128xi32, #tpu.memory_space<hbm>> -> memref<1x6x128xi32, #tpu.memory_space<hbm>>
      %dma_start3A_35 = tpu.memref_squeeze %dma_start3A_34 : memref<1x6x128xi32, #tpu.memory_space<hbm>> -> memref<6x128xi32, #tpu.memory_space<hbm>>
      tpu.enqueue_dma source(%dma_start3A_35 : memref<6x128xi32, #tpu.memory_space<hbm>>) target(%arg7 : memref<6x128xi32, #tpu.memory_space<vmem>>) target_semaphore(%run_scoped3A : memref<!tpu.dma_semaphore, #tpu.memory_space<semaphore_mem>>)
      %dma_wait3A_36 = arith.constant 0 : i32
      %dma_wait3A_37 = arith.constant 0 : i32
      %dma_wait3A_38 = tpu.memref_slice %arg4[%add3A, %dma_wait3A_36, %dma_wait3A_37] : memref<32x6x128xi32, #tpu.memory_space<hbm>> -> memref<1x6x128xi32, #tpu.memory_space<hbm>>
      %dma_wait3A_39 = tpu.memref_squeeze %dma_wait3A_38 : memref<1x6x128xi32, #tpu.memory_space<hbm>> -> memref<6x128xi32, #tpu.memory_space<hbm>>
      %dma_wait3A_40 = arith.constant 0 : i32
      %dma_wait3A_41 = arith.constant 0 : i32
      %dma_wait3A_42 = tpu.memref_slice %arg4[%add3A, %dma_wait3A_40, %dma_wait3A_41] : memref<32x6x128xi32, #tpu.memory_space<hbm>> -> memref<1x6x128xi32, #tpu.memory_space<hbm>>
      %dma_wait3A_43 = tpu.memref_squeeze %dma_wait3A_42 : memref<1x6x128xi32, #tpu.memory_space<hbm>> -> memref<6x128xi32, #tpu.memory_space<hbm>>
      tpu.wait_dma2 semaphore(%run_scoped3A : memref<!tpu.dma_semaphore, #tpu.memory_space<semaphore_mem>>) src(%dma_wait3A_43 : memref<6x128xi32, #tpu.memory_space<hbm>>) dst(%arg7 : memref<6x128xi32, #tpu.memory_space<vmem>>)
      tpu.yield
    }) : () -> ()
    %dma_start3A = arith.constant 0 : i32
    %dma_start3A_1 = arith.constant 0 : i32
    %dma_start3A_2 = arith.constant 0 : i32
    %dma_start3A_3 = arith.constant 0 : i32
    %dma_start3A_4 = tpu.memref_slice %arg8[%dma_start3A_1, %dma_start3A_2, %dma_start3A_3] : memref<2x128x16xf32, #tpu.memory_space<vmem>> -> memref<1x128x16xf32, #tpu.memory_space<vmem>>
    %dma_start3A_5 = tpu.memref_squeeze %dma_start3A_4 : memref<1x128x16xf32, #tpu.memory_space<vmem>> -> memref<128x16xf32, #tpu.memory_space<vmem>>
    %dma_start3A_6 = arith.constant 0 : i32
    %dma_start3A_7 = tpu.memref_slice %arg6[%dma_start3A, %dma_start3A_6] : memref<6x128xi32, #tpu.memory_space<vmem>> -> memref<1x128xi32, #tpu.memory_space<vmem>>
    %dma_start3A_8 = tpu.memref_squeeze %dma_start3A_7 : memref<1x128xi32, #tpu.memory_space<vmem>> -> memref<128xi32, #tpu.memory_space<vmem>>
    %dma_start3A_9 = arith.constant 0 : i32
    %dma_start3A_10 = arith.constant 0 : i32
    %dma_start3A_11 = tpu.memref_slice %arg2[%dma_start3A_9, %dma_start3A_10] : memref<311296x16xf32, #tpu.memory_space<hbm>> -> memref<311296x16xf32, #tpu.memory_space<hbm>>
    tpu.enqueue_indirect_dma source(%dma_start3A_11 : memref<311296x16xf32, #tpu.memory_space<hbm>>) target(%dma_start3A_5 : memref<128x16xf32, #tpu.memory_space<vmem>>) offsets(%dma_start3A_8 : memref<128xi32, #tpu.memory_space<vmem>>) semaphore(%arg9 : memref<!tpu.dma_semaphore, #tpu.memory_space<semaphore_mem>>)
    %scan3A = arith.constant 0 : i32
    %scan3A_12 = arith.constant 0 : i32
    %scan3A_13 = arith.constant 6 : i32
    %scan3A_14 = arith.addi %scan3A_12, %scan3A_13 : i32
    %scan3A_15 = arith.constant 1 : i32
    scf.for %scan3A_28 = %scan3A_12 to %scan3A_14 step %scan3A_15  : i32 {
      %rem3A = arith.constant 2 : i32
      %rem3A_29 = arith.remsi %scan3A_28, %rem3A : i32
      %add3A_30 = arith.constant 1 : i32
      %add3A_31 = arith.addi %scan3A_28, %add3A_30 : i32
      %rem3A_32 = arith.constant 2 : i32
      %rem3A_33 = arith.remsi %add3A_31, %rem3A_32 : i32
      %gt3A = arith.constant 0 : i32
      %gt3A_34 = arith.cmpi sgt, %scan3A_28, %gt3A : i32
      %convert_element_type3A = arith.extui %gt3A_34 : i1 to i32
      %cond3A = arith.constant 0 : i32
      %cond3A_35 = arith.cmpi ne, %convert_element_type3A, %cond3A : i32
      scf.if %cond3A_35 {
        %dma_wait3A_63 = arith.constant 0 : i32
        %dma_wait3A_64 = arith.constant 0 : i32
        %dma_wait3A_65 = tpu.memref_slice %arg8[%rem3A_33, %dma_wait3A_63, %dma_wait3A_64] : memref<2x128x16xf32, #tpu.memory_space<vmem>> -> memref<1x128x16xf32, #tpu.memory_space<vmem>>
        %dma_wait3A_66 = tpu.memref_squeeze %dma_wait3A_65 : memref<1x128x16xf32, #tpu.memory_space<vmem>> -> memref<128x16xf32, #tpu.memory_space<vmem>>
        %dma_wait3A_67 = arith.constant 0 : i32
        %dma_wait3A_68 = tpu.memref_slice %arg7[%scan3A_28, %dma_wait3A_67] : memref<6x128xi32, #tpu.memory_space<vmem>> -> memref<1x128xi32, #tpu.memory_space<vmem>>
        %dma_wait3A_69 = tpu.memref_squeeze %dma_wait3A_68 : memref<1x128xi32, #tpu.memory_space<vmem>> -> memref<128xi32, #tpu.memory_space<vmem>>
        %dma_wait3A_70 = arith.constant 0 : i32
        %dma_wait3A_71 = arith.constant 0 : i32
        %dma_wait3A_72 = tpu.memref_slice %arg5[%dma_wait3A_70, %dma_wait3A_71] : memref<65536x16xf32, #tpu.memory_space<hbm>> -> memref<65536x16xf32, #tpu.memory_space<hbm>>
        tpu.wait_indirect_dma semaphore(%arg10 : memref<!tpu.dma_semaphore, #tpu.memory_space<semaphore_mem>>) src(%dma_wait3A_66 : memref<128x16xf32, #tpu.memory_space<vmem>>) dst(%dma_wait3A_72 : memref<65536x16xf32, #tpu.memory_space<hbm>>)
      } else {
      }
      %add3A_36 = arith.constant 1 : i32
      %add3A_37 = arith.addi %scan3A_28, %add3A_36 : i32
      %lt3A = arith.constant 6 : i32
      %lt3A_38 = arith.cmpi slt, %add3A_37, %lt3A : i32
      %convert_element_type3A_39 = arith.extui %lt3A_38 : i1 to i32
      %cond3A_40 = arith.constant 0 : i32
      %cond3A_41 = arith.cmpi ne, %convert_element_type3A_39, %cond3A_40 : i32
      scf.if %cond3A_41 {
        %add3A_63 = arith.constant 1 : i32
        %add3A_64 = arith.addi %scan3A_28, %add3A_63 : i32
        %dma_start3A_65 = arith.constant 0 : i32
        %dma_start3A_66 = arith.constant 0 : i32
        %dma_start3A_67 = tpu.memref_slice %arg8[%rem3A_33, %dma_start3A_65, %dma_start3A_66] : memref<2x128x16xf32, #tpu.memory_space<vmem>> -> memref<1x128x16xf32, #tpu.memory_space<vmem>>
        %dma_start3A_68 = tpu.memref_squeeze %dma_start3A_67 : memref<1x128x16xf32, #tpu.memory_space<vmem>> -> memref<128x16xf32, #tpu.memory_space<vmem>>
        %dma_start3A_69 = arith.constant 0 : i32
        %dma_start3A_70 = tpu.memref_slice %arg6[%add3A_64, %dma_start3A_69] : memref<6x128xi32, #tpu.memory_space<vmem>> -> memref<1x128xi32, #tpu.memory_space<vmem>>
        %dma_start3A_71 = tpu.memref_squeeze %dma_start3A_70 : memref<1x128xi32, #tpu.memory_space<vmem>> -> memref<128xi32, #tpu.memory_space<vmem>>
        %dma_start3A_72 = arith.constant 0 : i32
        %dma_start3A_73 = arith.constant 0 : i32
        %dma_start3A_74 = tpu.memref_slice %arg2[%dma_start3A_72, %dma_start3A_73] : memref<311296x16xf32, #tpu.memory_space<hbm>> -> memref<311296x16xf32, #tpu.memory_space<hbm>>
        tpu.enqueue_indirect_dma source(%dma_start3A_74 : memref<311296x16xf32, #tpu.memory_space<hbm>>) target(%dma_start3A_68 : memref<128x16xf32, #tpu.memory_space<vmem>>) offsets(%dma_start3A_71 : memref<128xi32, #tpu.memory_space<vmem>>) semaphore(%arg9 : memref<!tpu.dma_semaphore, #tpu.memory_space<semaphore_mem>>)
      } else {
      }
      %dma_wait3A_42 = arith.constant 0 : i32
      %dma_wait3A_43 = arith.constant 0 : i32
      %dma_wait3A_44 = arith.constant 0 : i32
      %dma_wait3A_45 = tpu.memref_slice %arg8[%rem3A_29, %dma_wait3A_43, %dma_wait3A_44] : memref<2x128x16xf32, #tpu.memory_space<vmem>> -> memref<1x128x16xf32, #tpu.memory_space<vmem>>
      %dma_wait3A_46 = tpu.memref_squeeze %dma_wait3A_45 : memref<1x128x16xf32, #tpu.memory_space<vmem>> -> memref<128x16xf32, #tpu.memory_space<vmem>>
      %dma_wait3A_47 = arith.constant 0 : i32
      %dma_wait3A_48 = tpu.memref_slice %arg6[%dma_wait3A_42, %dma_wait3A_47] : memref<6x128xi32, #tpu.memory_space<vmem>> -> memref<1x128xi32, #tpu.memory_space<vmem>>
      %dma_wait3A_49 = tpu.memref_squeeze %dma_wait3A_48 : memref<1x128xi32, #tpu.memory_space<vmem>> -> memref<128xi32, #tpu.memory_space<vmem>>
      %dma_wait3A_50 = arith.constant 0 : i32
      %dma_wait3A_51 = arith.constant 0 : i32
      %dma_wait3A_52 = tpu.memref_slice %arg2[%dma_wait3A_50, %dma_wait3A_51] : memref<311296x16xf32, #tpu.memory_space<hbm>> -> memref<311296x16xf32, #tpu.memory_space<hbm>>
      tpu.wait_indirect_dma semaphore(%arg9 : memref<!tpu.dma_semaphore, #tpu.memory_space<semaphore_mem>>) src(%dma_wait3A_52 : memref<311296x16xf32, #tpu.memory_space<hbm>>) dst(%dma_wait3A_46 : memref<128x16xf32, #tpu.memory_space<vmem>>)
      %dma_start3A_53 = arith.constant 0 : i32
      %dma_start3A_54 = arith.constant 0 : i32
      %dma_start3A_55 = tpu.memref_slice %arg8[%rem3A_29, %dma_start3A_53, %dma_start3A_54] : memref<2x128x16xf32, #tpu.memory_space<vmem>> -> memref<1x128x16xf32, #tpu.memory_space<vmem>>
      %dma_start3A_56 = tpu.memref_squeeze %dma_start3A_55 : memref<1x128x16xf32, #tpu.memory_space<vmem>> -> memref<128x16xf32, #tpu.memory_space<vmem>>
      %dma_start3A_57 = arith.constant 0 : i32
      %dma_start3A_58 = tpu.memref_slice %arg7[%scan3A_28, %dma_start3A_57] : memref<6x128xi32, #tpu.memory_space<vmem>> -> memref<1x128xi32, #tpu.memory_space<vmem>>
      %dma_start3A_59 = tpu.memref_squeeze %dma_start3A_58 : memref<1x128xi32, #tpu.memory_space<vmem>> -> memref<128xi32, #tpu.memory_space<vmem>>
      %dma_start3A_60 = arith.constant 0 : i32
      %dma_start3A_61 = arith.constant 0 : i32
      %dma_start3A_62 = tpu.memref_slice %arg5[%dma_start3A_60, %dma_start3A_61] : memref<65536x16xf32, #tpu.memory_space<hbm>> -> memref<65536x16xf32, #tpu.memory_space<hbm>>
      tpu.enqueue_indirect_dma source(%dma_start3A_56 : memref<128x16xf32, #tpu.memory_space<vmem>>) target(%dma_start3A_62 : memref<65536x16xf32, #tpu.memory_space<hbm>>) offsets(%dma_start3A_59 : memref<128xi32, #tpu.memory_space<vmem>>) semaphore(%arg10 : memref<!tpu.dma_semaphore, #tpu.memory_space<semaphore_mem>>)
    }
    %scan3A_16 = arith.constant 6 : i32
    %dma_wait3A = arith.constant 0 : i32
    %dma_wait3A_17 = arith.constant 0 : i32
    %dma_wait3A_18 = arith.constant 0 : i32
    %dma_wait3A_19 = arith.constant 0 : i32
    %dma_wait3A_20 = tpu.memref_slice %arg8[%dma_wait3A, %dma_wait3A_18, %dma_wait3A_19] : memref<2x128x16xf32, #tpu.memory_space<vmem>> -> memref<1x128x16xf32, #tpu.memory_space<vmem>>
    %dma_wait3A_21 = tpu.memref_squeeze %dma_wait3A_20 : memref<1x128x16xf32, #tpu.memory_space<vmem>> -> memref<128x16xf32, #tpu.memory_space<vmem>>
    %dma_wait3A_22 = arith.constant 0 : i32
    %dma_wait3A_23 = tpu.memref_slice %arg7[%dma_wait3A_17, %dma_wait3A_22] : memref<6x128xi32, #tpu.memory_space<vmem>> -> memref<1x128xi32, #tpu.memory_space<vmem>>
    %dma_wait3A_24 = tpu.memref_squeeze %dma_wait3A_23 : memref<1x128xi32, #tpu.memory_space<vmem>> -> memref<128xi32, #tpu.memory_space<vmem>>
    %dma_wait3A_25 = arith.constant 0 : i32
    %dma_wait3A_26 = arith.constant 0 : i32
    %dma_wait3A_27 = tpu.memref_slice %arg5[%dma_wait3A_25, %dma_wait3A_26] : memref<65536x16xf32, #tpu.memory_space<hbm>> -> memref<65536x16xf32, #tpu.memory_space<hbm>>
    tpu.wait_indirect_dma semaphore(%arg10 : memref<!tpu.dma_semaphore, #tpu.memory_space<semaphore_mem>>) src(%dma_wait3A_21 : memref<128x16xf32, #tpu.memory_space<vmem>>) dst(%dma_wait3A_27 : memref<65536x16xf32, #tpu.memory_space<hbm>>)
    return
  }
}

#map = affine_map<(d0, d1) -> (0, 0)>
#map1 = affine_map<(d0, d1) -> (0, 0, 0)>
module attributes {stable_mosaic.version = 14 : i64} {
  func.func @k(%arg0: i32, %arg1: i32, %arg2: memref<1015808x16xf32, #tpu.memory_space<hbm>>, %arg3: memref<32x40x128xi32, #tpu.memory_space<hbm>>, %arg4: memref<32x40x128xi32, #tpu.memory_space<hbm>>, %arg5: memref<262144x16xf32, #tpu.memory_space<hbm>>, %arg6: memref<40x128xi32, #tpu.memory_space<vmem>>, %arg7: memref<40x128xi32, #tpu.memory_space<vmem>>, %arg8: memref<2x128x16xf32, #tpu.memory_space<vmem>>, %arg9: memref<!tpu.dma_semaphore, #tpu.memory_space<semaphore_mem>>, %arg10: memref<!tpu.dma_semaphore, #tpu.memory_space<semaphore_mem>>) attributes {dimension_semantics = [#tpu.dimension_semantics<core_parallel>, #tpu.dimension_semantics<subcore_parallel>], iteration_bounds = array<i64: 2, 16>, scalar_prefetch = 0 : i64, scratch_operands = 5 : i64, tpu.core_type = #tpu.core_type<sc_vector_subcore>, window_params = [{transform_indices = #map}, {transform_indices = #map1}, {transform_indices = #map1}, {transform_indices = #map}]} {
    %mul3A = arith.constant 2 : i32
    %mul3A_0 = arith.muli %arg1, %mul3A : i32
    %add3A = arith.addi %mul3A_0, %arg0 : i32
    "tpu.region"() ({
      %run_scoped3A = tpu.sem_alloc : memref<!tpu.dma_semaphore, #tpu.memory_space<semaphore_mem>>
      %dma_start3A_28 = arith.constant 0 : i32
      %dma_start3A_29 = arith.constant 0 : i32
      %dma_start3A_30 = tpu.memref_slice %arg3[%add3A, %dma_start3A_28, %dma_start3A_29] : memref<32x40x128xi32, #tpu.memory_space<hbm>> -> memref<1x40x128xi32, #tpu.memory_space<hbm>>
      %dma_start3A_31 = tpu.memref_squeeze %dma_start3A_30 : memref<1x40x128xi32, #tpu.memory_space<hbm>> -> memref<40x128xi32, #tpu.memory_space<hbm>>
      %dma_start3A_32 = arith.constant 0 : i32
      %dma_start3A_33 = arith.constant 0 : i32
      %dma_start3A_34 = tpu.memref_slice %arg3[%add3A, %dma_start3A_32, %dma_start3A_33] : memref<32x40x128xi32, #tpu.memory_space<hbm>> -> memref<1x40x128xi32, #tpu.memory_space<hbm>>
      %dma_start3A_35 = tpu.memref_squeeze %dma_start3A_34 : memref<1x40x128xi32, #tpu.memory_space<hbm>> -> memref<40x128xi32, #tpu.memory_space<hbm>>
      tpu.enqueue_dma source(%dma_start3A_35 : memref<40x128xi32, #tpu.memory_space<hbm>>) target(%arg6 : memref<40x128xi32, #tpu.memory_space<vmem>>) target_semaphore(%run_scoped3A : memref<!tpu.dma_semaphore, #tpu.memory_space<semaphore_mem>>)
      %dma_wait3A_36 = arith.constant 0 : i32
      %dma_wait3A_37 = arith.constant 0 : i32
      %dma_wait3A_38 = tpu.memref_slice %arg3[%add3A, %dma_wait3A_36, %dma_wait3A_37] : memref<32x40x128xi32, #tpu.memory_space<hbm>> -> memref<1x40x128xi32, #tpu.memory_space<hbm>>
      %dma_wait3A_39 = tpu.memref_squeeze %dma_wait3A_38 : memref<1x40x128xi32, #tpu.memory_space<hbm>> -> memref<40x128xi32, #tpu.memory_space<hbm>>
      %dma_wait3A_40 = arith.constant 0 : i32
      %dma_wait3A_41 = arith.constant 0 : i32
      %dma_wait3A_42 = tpu.memref_slice %arg3[%add3A, %dma_wait3A_40, %dma_wait3A_41] : memref<32x40x128xi32, #tpu.memory_space<hbm>> -> memref<1x40x128xi32, #tpu.memory_space<hbm>>
      %dma_wait3A_43 = tpu.memref_squeeze %dma_wait3A_42 : memref<1x40x128xi32, #tpu.memory_space<hbm>> -> memref<40x128xi32, #tpu.memory_space<hbm>>
      tpu.wait_dma2 semaphore(%run_scoped3A : memref<!tpu.dma_semaphore, #tpu.memory_space<semaphore_mem>>) src(%dma_wait3A_43 : memref<40x128xi32, #tpu.memory_space<hbm>>) dst(%arg6 : memref<40x128xi32, #tpu.memory_space<vmem>>)
      tpu.yield
    }) : () -> ()
    "tpu.region"() ({
      %run_scoped3A = tpu.sem_alloc : memref<!tpu.dma_semaphore, #tpu.memory_space<semaphore_mem>>
      %dma_start3A_28 = arith.constant 0 : i32
      %dma_start3A_29 = arith.constant 0 : i32
      %dma_start3A_30 = tpu.memref_slice %arg4[%add3A, %dma_start3A_28, %dma_start3A_29] : memref<32x40x128xi32, #tpu.memory_space<hbm>> -> memref<1x40x128xi32, #tpu.memory_space<hbm>>
      %dma_start3A_31 = tpu.memref_squeeze %dma_start3A_30 : memref<1x40x128xi32, #tpu.memory_space<hbm>> -> memref<40x128xi32, #tpu.memory_space<hbm>>
      %dma_start3A_32 = arith.constant 0 : i32
      %dma_start3A_33 = arith.constant 0 : i32
      %dma_start3A_34 = tpu.memref_slice %arg4[%add3A, %dma_start3A_32, %dma_start3A_33] : memref<32x40x128xi32, #tpu.memory_space<hbm>> -> memref<1x40x128xi32, #tpu.memory_space<hbm>>
      %dma_start3A_35 = tpu.memref_squeeze %dma_start3A_34 : memref<1x40x128xi32, #tpu.memory_space<hbm>> -> memref<40x128xi32, #tpu.memory_space<hbm>>
      tpu.enqueue_dma source(%dma_start3A_35 : memref<40x128xi32, #tpu.memory_space<hbm>>) target(%arg7 : memref<40x128xi32, #tpu.memory_space<vmem>>) target_semaphore(%run_scoped3A : memref<!tpu.dma_semaphore, #tpu.memory_space<semaphore_mem>>)
      %dma_wait3A_36 = arith.constant 0 : i32
      %dma_wait3A_37 = arith.constant 0 : i32
      %dma_wait3A_38 = tpu.memref_slice %arg4[%add3A, %dma_wait3A_36, %dma_wait3A_37] : memref<32x40x128xi32, #tpu.memory_space<hbm>> -> memref<1x40x128xi32, #tpu.memory_space<hbm>>
      %dma_wait3A_39 = tpu.memref_squeeze %dma_wait3A_38 : memref<1x40x128xi32, #tpu.memory_space<hbm>> -> memref<40x128xi32, #tpu.memory_space<hbm>>
      %dma_wait3A_40 = arith.constant 0 : i32
      %dma_wait3A_41 = arith.constant 0 : i32
      %dma_wait3A_42 = tpu.memref_slice %arg4[%add3A, %dma_wait3A_40, %dma_wait3A_41] : memref<32x40x128xi32, #tpu.memory_space<hbm>> -> memref<1x40x128xi32, #tpu.memory_space<hbm>>
      %dma_wait3A_43 = tpu.memref_squeeze %dma_wait3A_42 : memref<1x40x128xi32, #tpu.memory_space<hbm>> -> memref<40x128xi32, #tpu.memory_space<hbm>>
      tpu.wait_dma2 semaphore(%run_scoped3A : memref<!tpu.dma_semaphore, #tpu.memory_space<semaphore_mem>>) src(%dma_wait3A_43 : memref<40x128xi32, #tpu.memory_space<hbm>>) dst(%arg7 : memref<40x128xi32, #tpu.memory_space<vmem>>)
      tpu.yield
    }) : () -> ()
    %dma_start3A = arith.constant 0 : i32
    %dma_start3A_1 = arith.constant 0 : i32
    %dma_start3A_2 = arith.constant 0 : i32
    %dma_start3A_3 = arith.constant 0 : i32
    %dma_start3A_4 = tpu.memref_slice %arg8[%dma_start3A_1, %dma_start3A_2, %dma_start3A_3] : memref<2x128x16xf32, #tpu.memory_space<vmem>> -> memref<1x128x16xf32, #tpu.memory_space<vmem>>
    %dma_start3A_5 = tpu.memref_squeeze %dma_start3A_4 : memref<1x128x16xf32, #tpu.memory_space<vmem>> -> memref<128x16xf32, #tpu.memory_space<vmem>>
    %dma_start3A_6 = arith.constant 0 : i32
    %dma_start3A_7 = tpu.memref_slice %arg6[%dma_start3A, %dma_start3A_6] : memref<40x128xi32, #tpu.memory_space<vmem>> -> memref<1x128xi32, #tpu.memory_space<vmem>>
    %dma_start3A_8 = tpu.memref_squeeze %dma_start3A_7 : memref<1x128xi32, #tpu.memory_space<vmem>> -> memref<128xi32, #tpu.memory_space<vmem>>
    %dma_start3A_9 = arith.constant 0 : i32
    %dma_start3A_10 = arith.constant 0 : i32
    %dma_start3A_11 = tpu.memref_slice %arg2[%dma_start3A_9, %dma_start3A_10] : memref<1015808x16xf32, #tpu.memory_space<hbm>> -> memref<1015808x16xf32, #tpu.memory_space<hbm>>
    tpu.enqueue_indirect_dma source(%dma_start3A_11 : memref<1015808x16xf32, #tpu.memory_space<hbm>>) target(%dma_start3A_5 : memref<128x16xf32, #tpu.memory_space<vmem>>) offsets(%dma_start3A_8 : memref<128xi32, #tpu.memory_space<vmem>>) semaphore(%arg9 : memref<!tpu.dma_semaphore, #tpu.memory_space<semaphore_mem>>)
    %scan3A = arith.constant 0 : i32
    %scan3A_12 = arith.constant 0 : i32
    %scan3A_13 = arith.constant 40 : i32
    %scan3A_14 = arith.addi %scan3A_12, %scan3A_13 : i32
    %scan3A_15 = arith.constant 1 : i32
    scf.for %scan3A_28 = %scan3A_12 to %scan3A_14 step %scan3A_15  : i32 {
      %rem3A = arith.constant 2 : i32
      %rem3A_29 = arith.remsi %scan3A_28, %rem3A : i32
      %add3A_30 = arith.constant 1 : i32
      %add3A_31 = arith.addi %scan3A_28, %add3A_30 : i32
      %rem3A_32 = arith.constant 2 : i32
      %rem3A_33 = arith.remsi %add3A_31, %rem3A_32 : i32
      %gt3A = arith.constant 0 : i32
      %gt3A_34 = arith.cmpi sgt, %scan3A_28, %gt3A : i32
      %convert_element_type3A = arith.extui %gt3A_34 : i1 to i32
      %cond3A = arith.constant 0 : i32
      %cond3A_35 = arith.cmpi ne, %convert_element_type3A, %cond3A : i32
      scf.if %cond3A_35 {
        %dma_wait3A_63 = arith.constant 0 : i32
        %dma_wait3A_64 = arith.constant 0 : i32
        %dma_wait3A_65 = tpu.memref_slice %arg8[%rem3A_33, %dma_wait3A_63, %dma_wait3A_64] : memref<2x128x16xf32, #tpu.memory_space<vmem>> -> memref<1x128x16xf32, #tpu.memory_space<vmem>>
        %dma_wait3A_66 = tpu.memref_squeeze %dma_wait3A_65 : memref<1x128x16xf32, #tpu.memory_space<vmem>> -> memref<128x16xf32, #tpu.memory_space<vmem>>
        %dma_wait3A_67 = arith.constant 0 : i32
        %dma_wait3A_68 = tpu.memref_slice %arg7[%scan3A_28, %dma_wait3A_67] : memref<40x128xi32, #tpu.memory_space<vmem>> -> memref<1x128xi32, #tpu.memory_space<vmem>>
        %dma_wait3A_69 = tpu.memref_squeeze %dma_wait3A_68 : memref<1x128xi32, #tpu.memory_space<vmem>> -> memref<128xi32, #tpu.memory_space<vmem>>
        %dma_wait3A_70 = arith.constant 0 : i32
        %dma_wait3A_71 = arith.constant 0 : i32
        %dma_wait3A_72 = tpu.memref_slice %arg5[%dma_wait3A_70, %dma_wait3A_71] : memref<262144x16xf32, #tpu.memory_space<hbm>> -> memref<262144x16xf32, #tpu.memory_space<hbm>>
        tpu.wait_indirect_dma semaphore(%arg10 : memref<!tpu.dma_semaphore, #tpu.memory_space<semaphore_mem>>) src(%dma_wait3A_66 : memref<128x16xf32, #tpu.memory_space<vmem>>) dst(%dma_wait3A_72 : memref<262144x16xf32, #tpu.memory_space<hbm>>)
      } else {
      }
      %add3A_36 = arith.constant 1 : i32
      %add3A_37 = arith.addi %scan3A_28, %add3A_36 : i32
      %lt3A = arith.constant 40 : i32
      %lt3A_38 = arith.cmpi slt, %add3A_37, %lt3A : i32
      %convert_element_type3A_39 = arith.extui %lt3A_38 : i1 to i32
      %cond3A_40 = arith.constant 0 : i32
      %cond3A_41 = arith.cmpi ne, %convert_element_type3A_39, %cond3A_40 : i32
      scf.if %cond3A_41 {
        %add3A_63 = arith.constant 1 : i32
        %add3A_64 = arith.addi %scan3A_28, %add3A_63 : i32
        %dma_start3A_65 = arith.constant 0 : i32
        %dma_start3A_66 = arith.constant 0 : i32
        %dma_start3A_67 = tpu.memref_slice %arg8[%rem3A_33, %dma_start3A_65, %dma_start3A_66] : memref<2x128x16xf32, #tpu.memory_space<vmem>> -> memref<1x128x16xf32, #tpu.memory_space<vmem>>
        %dma_start3A_68 = tpu.memref_squeeze %dma_start3A_67 : memref<1x128x16xf32, #tpu.memory_space<vmem>> -> memref<128x16xf32, #tpu.memory_space<vmem>>
        %dma_start3A_69 = arith.constant 0 : i32
        %dma_start3A_70 = tpu.memref_slice %arg6[%add3A_64, %dma_start3A_69] : memref<40x128xi32, #tpu.memory_space<vmem>> -> memref<1x128xi32, #tpu.memory_space<vmem>>
        %dma_start3A_71 = tpu.memref_squeeze %dma_start3A_70 : memref<1x128xi32, #tpu.memory_space<vmem>> -> memref<128xi32, #tpu.memory_space<vmem>>
        %dma_start3A_72 = arith.constant 0 : i32
        %dma_start3A_73 = arith.constant 0 : i32
        %dma_start3A_74 = tpu.memref_slice %arg2[%dma_start3A_72, %dma_start3A_73] : memref<1015808x16xf32, #tpu.memory_space<hbm>> -> memref<1015808x16xf32, #tpu.memory_space<hbm>>
        tpu.enqueue_indirect_dma source(%dma_start3A_74 : memref<1015808x16xf32, #tpu.memory_space<hbm>>) target(%dma_start3A_68 : memref<128x16xf32, #tpu.memory_space<vmem>>) offsets(%dma_start3A_71 : memref<128xi32, #tpu.memory_space<vmem>>) semaphore(%arg9 : memref<!tpu.dma_semaphore, #tpu.memory_space<semaphore_mem>>)
      } else {
      }
      %dma_wait3A_42 = arith.constant 0 : i32
      %dma_wait3A_43 = arith.constant 0 : i32
      %dma_wait3A_44 = arith.constant 0 : i32
      %dma_wait3A_45 = tpu.memref_slice %arg8[%rem3A_29, %dma_wait3A_43, %dma_wait3A_44] : memref<2x128x16xf32, #tpu.memory_space<vmem>> -> memref<1x128x16xf32, #tpu.memory_space<vmem>>
      %dma_wait3A_46 = tpu.memref_squeeze %dma_wait3A_45 : memref<1x128x16xf32, #tpu.memory_space<vmem>> -> memref<128x16xf32, #tpu.memory_space<vmem>>
      %dma_wait3A_47 = arith.constant 0 : i32
      %dma_wait3A_48 = tpu.memref_slice %arg6[%dma_wait3A_42, %dma_wait3A_47] : memref<40x128xi32, #tpu.memory_space<vmem>> -> memref<1x128xi32, #tpu.memory_space<vmem>>
      %dma_wait3A_49 = tpu.memref_squeeze %dma_wait3A_48 : memref<1x128xi32, #tpu.memory_space<vmem>> -> memref<128xi32, #tpu.memory_space<vmem>>
      %dma_wait3A_50 = arith.constant 0 : i32
      %dma_wait3A_51 = arith.constant 0 : i32
      %dma_wait3A_52 = tpu.memref_slice %arg2[%dma_wait3A_50, %dma_wait3A_51] : memref<1015808x16xf32, #tpu.memory_space<hbm>> -> memref<1015808x16xf32, #tpu.memory_space<hbm>>
      tpu.wait_indirect_dma semaphore(%arg9 : memref<!tpu.dma_semaphore, #tpu.memory_space<semaphore_mem>>) src(%dma_wait3A_52 : memref<1015808x16xf32, #tpu.memory_space<hbm>>) dst(%dma_wait3A_46 : memref<128x16xf32, #tpu.memory_space<vmem>>)
      %dma_start3A_53 = arith.constant 0 : i32
      %dma_start3A_54 = arith.constant 0 : i32
      %dma_start3A_55 = tpu.memref_slice %arg8[%rem3A_29, %dma_start3A_53, %dma_start3A_54] : memref<2x128x16xf32, #tpu.memory_space<vmem>> -> memref<1x128x16xf32, #tpu.memory_space<vmem>>
      %dma_start3A_56 = tpu.memref_squeeze %dma_start3A_55 : memref<1x128x16xf32, #tpu.memory_space<vmem>> -> memref<128x16xf32, #tpu.memory_space<vmem>>
      %dma_start3A_57 = arith.constant 0 : i32
      %dma_start3A_58 = tpu.memref_slice %arg7[%scan3A_28, %dma_start3A_57] : memref<40x128xi32, #tpu.memory_space<vmem>> -> memref<1x128xi32, #tpu.memory_space<vmem>>
      %dma_start3A_59 = tpu.memref_squeeze %dma_start3A_58 : memref<1x128xi32, #tpu.memory_space<vmem>> -> memref<128xi32, #tpu.memory_space<vmem>>
      %dma_start3A_60 = arith.constant 0 : i32
      %dma_start3A_61 = arith.constant 0 : i32
      %dma_start3A_62 = tpu.memref_slice %arg5[%dma_start3A_60, %dma_start3A_61] : memref<262144x16xf32, #tpu.memory_space<hbm>> -> memref<262144x16xf32, #tpu.memory_space<hbm>>
      tpu.enqueue_indirect_dma source(%dma_start3A_56 : memref<128x16xf32, #tpu.memory_space<vmem>>) target(%dma_start3A_62 : memref<262144x16xf32, #tpu.memory_space<hbm>>) offsets(%dma_start3A_59 : memref<128xi32, #tpu.memory_space<vmem>>) semaphore(%arg10 : memref<!tpu.dma_semaphore, #tpu.memory_space<semaphore_mem>>)
    }
    %scan3A_16 = arith.constant 40 : i32
    %dma_wait3A = arith.constant 0 : i32
    %dma_wait3A_17 = arith.constant 0 : i32
    %dma_wait3A_18 = arith.constant 0 : i32
    %dma_wait3A_19 = arith.constant 0 : i32
    %dma_wait3A_20 = tpu.memref_slice %arg8[%dma_wait3A, %dma_wait3A_18, %dma_wait3A_19] : memref<2x128x16xf32, #tpu.memory_space<vmem>> -> memref<1x128x16xf32, #tpu.memory_space<vmem>>
    %dma_wait3A_21 = tpu.memref_squeeze %dma_wait3A_20 : memref<1x128x16xf32, #tpu.memory_space<vmem>> -> memref<128x16xf32, #tpu.memory_space<vmem>>
    %dma_wait3A_22 = arith.constant 0 : i32
    %dma_wait3A_23 = tpu.memref_slice %arg7[%dma_wait3A_17, %dma_wait3A_22] : memref<40x128xi32, #tpu.memory_space<vmem>> -> memref<1x128xi32, #tpu.memory_space<vmem>>
    %dma_wait3A_24 = tpu.memref_squeeze %dma_wait3A_23 : memref<1x128xi32, #tpu.memory_space<vmem>> -> memref<128xi32, #tpu.memory_space<vmem>>
    %dma_wait3A_25 = arith.constant 0 : i32
    %dma_wait3A_26 = arith.constant 0 : i32
    %dma_wait3A_27 = tpu.memref_slice %arg5[%dma_wait3A_25, %dma_wait3A_26] : memref<262144x16xf32, #tpu.memory_space<hbm>> -> memref<262144x16xf32, #tpu.memory_space<hbm>>
    tpu.wait_indirect_dma semaphore(%arg10 : memref<!tpu.dma_semaphore, #tpu.memory_space<semaphore_mem>>) src(%dma_wait3A_21 : memref<128x16xf32, #tpu.memory_space<vmem>>) dst(%dma_wait3A_27 : memref<262144x16xf32, #tpu.memory_space<hbm>>)
    return
  }
}

module attributes {stable_mosaic.version = 14 : i64} {
  func.func @_transpose_body(%arg0: i32, %arg1: memref<16x16384xf32, #tpu.memory_space<vmem>>, %arg2: memref<2048x128xf32, #tpu.memory_space<vmem>>) attributes {dimension_semantics = [#tpu.dimension_semantics<arbitrary>], iteration_bounds = array<i64: 62>, scalar_prefetch = 0 : i64, scratch_operands = 0 : i64, tpu.core_type = #tpu.core_type<tc>, window_params = [{transform_indices = @transform_0, window_bounds = array<i64: 16, 16384>}, {transform_indices = @transform_1, window_bounds = array<i64: 2048, 128>}]} {
    %get3A = arith.constant 0 : index
    %get3A_0 = arith.constant 0 : index
    %get3A_1 = vector.load %arg1[%get3A, %get3A_0] : memref<16x16384xf32, #tpu.memory_space<vmem>>, vector<16x16384xf32>
    %reshape3A = vector.shape_cast %get3A_1 : vector<16x16384xf32> to vector<16x128x128xf32>
    %reshape3A_2 = vector.shape_cast %reshape3A : vector<16x128x128xf32> to vector<2048x128xf32>
    %transpose3A = tpu.transpose %reshape3A_2, [1, 0] : vector<2048x128xf32> -> vector<128x2048xf32>
    %reshape3A_3 = vector.shape_cast %transpose3A : vector<128x2048xf32> to vector<128x16x128xf32>
    %reshape3A_4 = vector.shape_cast %reshape3A_3 : vector<128x16x128xf32> to vector<2048x128xf32>
    %transpose3A_5 = tpu.transpose %reshape3A_4, [1, 0] : vector<2048x128xf32> -> vector<128x2048xf32>
    %reshape3A_6 = vector.shape_cast %transpose3A_5 : vector<128x2048xf32> to vector<128x16x128xf32>
    %reshape3A_7 = vector.shape_cast %reshape3A_6 : vector<128x16x128xf32> to vector<2048x128xf32>
    %swap3A = arith.constant 0 : index
    %swap3A_8 = arith.constant 0 : index
    %swap3A_9 = vector.load %arg2[%swap3A, %swap3A_8] : memref<2048x128xf32, #tpu.memory_space<vmem>>, vector<2048x128xf32>
    tpu.vector_store %arg2[%swap3A, %swap3A_8], %reshape3A_7 {strides = array<i32>} : memref<2048x128xf32, #tpu.memory_space<vmem>>, vector<2048x128xf32>,
    return
  }
  func.func @transform_0(%arg0: i32) -> (i32, i32) {
    %add3A = arith.constant 0 : i32
    %add3A_0 = arith.addi %add3A, %arg0 : i32
    %c0_i32 = arith.constant 0 : i32
    %c0_i32_1 = arith.constant 0 : i32
    return %c0_i32, %add3A_0 : i32, i32
  }
  func.func @transform_1(%arg0: i32) -> (i32, i32) {
    %c0_i32 = arith.constant 0 : i32
    %c0_i32_0 = arith.constant 0 : i32
    return %arg0, %c0_i32 : i32, i32
  }
}

module attributes {stable_mosaic.version = 14 : i64} {
  func.func @_transpose_body(%arg0: i32, %arg1: memref<16x16384xf32, #tpu.memory_space<vmem>>, %arg2: memref<2048x128xf32, #tpu.memory_space<vmem>>) attributes {dimension_semantics = [#tpu.dimension_semantics<arbitrary>], iteration_bounds = array<i64: 37>, scalar_prefetch = 0 : i64, scratch_operands = 0 : i64, tpu.core_type = #tpu.core_type<tc>, window_params = [{transform_indices = @transform_0, window_bounds = array<i64: 16, 16384>}, {transform_indices = @transform_1, window_bounds = array<i64: 2048, 128>}]} {
    %get3A = arith.constant 0 : index
    %get3A_0 = arith.constant 0 : index
    %get3A_1 = vector.load %arg1[%get3A, %get3A_0] : memref<16x16384xf32, #tpu.memory_space<vmem>>, vector<16x16384xf32>
    %reshape3A = vector.shape_cast %get3A_1 : vector<16x16384xf32> to vector<16x128x128xf32>
    %reshape3A_2 = vector.shape_cast %reshape3A : vector<16x128x128xf32> to vector<2048x128xf32>
    %transpose3A = tpu.transpose %reshape3A_2, [1, 0] : vector<2048x128xf32> -> vector<128x2048xf32>
    %reshape3A_3 = vector.shape_cast %transpose3A : vector<128x2048xf32> to vector<128x16x128xf32>
    %reshape3A_4 = vector.shape_cast %reshape3A_3 : vector<128x16x128xf32> to vector<2048x128xf32>
    %transpose3A_5 = tpu.transpose %reshape3A_4, [1, 0] : vector<2048x128xf32> -> vector<128x2048xf32>
    %reshape3A_6 = vector.shape_cast %transpose3A_5 : vector<128x2048xf32> to vector<128x16x128xf32>
    %reshape3A_7 = vector.shape_cast %reshape3A_6 : vector<128x16x128xf32> to vector<2048x128xf32>
    %swap3A = arith.constant 0 : index
    %swap3A_8 = arith.constant 0 : index
    %swap3A_9 = vector.load %arg2[%swap3A, %swap3A_8] : memref<2048x128xf32, #tpu.memory_space<vmem>>, vector<2048x128xf32>
    tpu.vector_store %arg2[%swap3A, %swap3A_8], %reshape3A_7 {strides = array<i32>} : memref<2048x128xf32, #tpu.memory_space<vmem>>, vector<2048x128xf32>,
    return
  }
  func.func @transform_0(%arg0: i32) -> (i32, i32) {
    %add3A = arith.constant 61 : i32
    %add3A_0 = arith.addi %add3A, %arg0 : i32
    %c0_i32 = arith.constant 0 : i32
    %c0_i32_1 = arith.constant 0 : i32
    return %c0_i32, %add3A_0 : i32, i32
  }
  func.func @transform_1(%arg0: i32) -> (i32, i32) {
    %c0_i32 = arith.constant 0 : i32
    %c0_i32_0 = arith.constant 0 : i32
    return %arg0, %c0_i32 : i32, i32
  }
}

module attributes {stable_mosaic.version = 14 : i64} {
  func.func @_transpose_body(%arg0: i32, %arg1: memref<16x16384xf32, #tpu.memory_space<vmem>>, %arg2: memref<2048x128xf32, #tpu.memory_space<vmem>>) attributes {dimension_semantics = [#tpu.dimension_semantics<arbitrary>], iteration_bounds = array<i64: 19>, scalar_prefetch = 0 : i64, scratch_operands = 0 : i64, tpu.core_type = #tpu.core_type<tc>, window_params = [{transform_indices = @transform_0, window_bounds = array<i64: 16, 16384>}, {transform_indices = @transform_1, window_bounds = array<i64: 2048, 128>}]} {
    %get3A = arith.constant 0 : index
    %get3A_0 = arith.constant 0 : index
    %get3A_1 = vector.load %arg1[%get3A, %get3A_0] : memref<16x16384xf32, #tpu.memory_space<vmem>>, vector<16x16384xf32>
    %reshape3A = vector.shape_cast %get3A_1 : vector<16x16384xf32> to vector<16x128x128xf32>
    %reshape3A_2 = vector.shape_cast %reshape3A : vector<16x128x128xf32> to vector<2048x128xf32>
    %transpose3A = tpu.transpose %reshape3A_2, [1, 0] : vector<2048x128xf32> -> vector<128x2048xf32>
    %reshape3A_3 = vector.shape_cast %transpose3A : vector<128x2048xf32> to vector<128x16x128xf32>
    %reshape3A_4 = vector.shape_cast %reshape3A_3 : vector<128x16x128xf32> to vector<2048x128xf32>
    %transpose3A_5 = tpu.transpose %reshape3A_4, [1, 0] : vector<2048x128xf32> -> vector<128x2048xf32>
    %reshape3A_6 = vector.shape_cast %transpose3A_5 : vector<128x2048xf32> to vector<128x16x128xf32>
    %reshape3A_7 = vector.shape_cast %reshape3A_6 : vector<128x16x128xf32> to vector<2048x128xf32>
    %swap3A = arith.constant 0 : index
    %swap3A_8 = arith.constant 0 : index
    %swap3A_9 = vector.load %arg2[%swap3A, %swap3A_8] : memref<2048x128xf32, #tpu.memory_space<vmem>>, vector<2048x128xf32>
    tpu.vector_store %arg2[%swap3A, %swap3A_8], %reshape3A_7 {strides = array<i32>} : memref<2048x128xf32, #tpu.memory_space<vmem>>, vector<2048x128xf32>,
    return
  }
  func.func @transform_0(%arg0: i32) -> (i32, i32) {
    %add3A = arith.constant 97 : i32
    %add3A_0 = arith.addi %add3A, %arg0 : i32
    %c0_i32 = arith.constant 0 : i32
    %c0_i32_1 = arith.constant 0 : i32
    return %c0_i32, %add3A_0 : i32, i32
  }
  func.func @transform_1(%arg0: i32) -> (i32, i32) {
    %c0_i32 = arith.constant 0 : i32
    %c0_i32_0 = arith.constant 0 : i32
    return %arg0, %c0_i32 : i32, i32
  }
}

module attributes {stable_mosaic.version = 14 : i64} {
  func.func @_tc_body(%arg0: i32, %arg1: memref<2x1024x128xf32, #tpu.memory_space<vmem>>, %arg2: memref<1x1024x128xf32, #tpu.memory_space<vmem>>, %arg3: memref<1x1024x128xf32, #tpu.memory_space<vmem>>, %arg4: memref<128x400xf32, #tpu.memory_space<vmem>>, %arg5: memref<128x400xf32, #tpu.memory_space<vmem>>, %arg6: memref<128x400xf32, #tpu.memory_space<vmem>>, %arg7: memref<1x400xf32, #tpu.memory_space<vmem>>, %arg8: memref<400x400xf32, #tpu.memory_space<vmem>>, %arg9: memref<1x400xf32, #tpu.memory_space<vmem>>, %arg10: memref<400x400xf32, #tpu.memory_space<vmem>>, %arg11: memref<1x400xf32, #tpu.memory_space<vmem>>, %arg12: memref<1x400xf32, #tpu.memory_space<vmem>>, %arg13: memref<1x1xf32, #tpu.memory_space<vmem>>, %arg14: memref<1x1x1024xf32, #tpu.memory_space<vmem>>) attributes {dimension_semantics = [#tpu.dimension_semantics<arbitrary>], iteration_bounds = array<i64: 8>, scalar_prefetch = 0 : i64, scratch_operands = 0 : i64, tpu.core_type = #tpu.core_type<tc>, window_params = [{transform_indices = @transform_0, window_bounds = array<i64: 2, 1024, 128>}, {transform_indices = @transform_1, window_bounds = array<i64: 1, 1024, 128>}, {transform_indices = @transform_2, window_bounds = array<i64: 1, 1024, 128>}, {pipeline_mode = #tpu.pipeline_mode<synchronous>, transform_indices = @transform_3, window_bounds = array<i64: 128, 400>}, {pipeline_mode = #tpu.pipeline_mode<synchronous>, transform_indices = @transform_4, window_bounds = array<i64: 128, 400>}, {pipeline_mode = #tpu.pipeline_mode<synchronous>, transform_indices = @transform_5, window_bounds = array<i64: 128, 400>}, {pipeline_mode = #tpu.pipeline_mode<synchronous>, transform_indices = @transform_6, window_bounds = array<i64: 1, 400>}, {pipeline_mode = #tpu.pipeline_mode<synchronous>, transform_indices = @transform_7, window_bounds = array<i64: 400, 400>}, {pipeline_mode = #tpu.pipeline_mode<synchronous>, transform_indices = @transform_8, window_bounds = array<i64: 1, 400>}, {pipeline_mode = #tpu.pipeline_mode<synchronous>, transform_indices = @transform_9, window_bounds = array<i64: 400, 400>}, {pipeline_mode = #tpu.pipeline_mode<synchronous>, transform_indices = @transform_10, window_bounds = array<i64: 1, 400>}, {pipeline_mode = #tpu.pipeline_mode<synchronous>, transform_indices = @transform_11, window_bounds = array<i64: 1, 400>}, {pipeline_mode = #tpu.pipeline_mode<synchronous>, transform_indices = @transform_12, window_bounds = array<i64: 1, 1>}, {transform_indices = @transform_13, window_bounds = array<i64: 1, 1, 1024>}]} {
    %iota3A = tpu.iota {dimensions = array<i32: 1>} : vector<1024x128xi32>
    %get3A = arith.constant 0 : index
    %get3A_0 = arith.constant 0 : index
    %get3A_1 = arith.constant 0 : index
    %get3A_2 = vector.load %arg1[%get3A, %get3A_0, %get3A_1] : memref<2x1024x128xf32, #tpu.memory_space<vmem>>, vector<1x1024x128xf32>
    %get3A_3 = vector.shape_cast %get3A_2 : vector<1x1024x128xf32> to vector<1024x128xf32>
    %lt3A = arith.constant 32 : i32
    %lt3A_4 = vector.broadcast %lt3A : i32 to vector<1024x128xi32>
    %lt3A_5 = arith.cmpi slt, %iota3A, %lt3A_4 : vector<1024x128xi32>
    %get3A_6 = arith.constant 1 : index
    %get3A_7 = arith.constant 0 : index
    %get3A_8 = arith.constant 0 : index
    %get3A_9 = vector.load %arg1[%get3A_6, %get3A_7, %get3A_8] : memref<2x1024x128xf32, #tpu.memory_space<vmem>>, vector<1x1024x128xf32>
    %get3A_10 = vector.shape_cast %get3A_9 : vector<1x1024x128xf32> to vector<1024x128xf32>
    %get3A_11 = arith.constant 0 : index
    %get3A_12 = arith.constant 0 : index
    %get3A_13 = arith.constant 0 : index
    %get3A_14 = vector.load %arg2[%get3A_11, %get3A_12, %get3A_13] : memref<1x1024x128xf32, #tpu.memory_space<vmem>>, vector<1x1024x128xf32>
    %get3A_15 = vector.shape_cast %get3A_14 : vector<1x1024x128xf32> to vector<1024x128xf32>
    %select_n3A = arith.select %lt3A_5, %get3A_10, %get3A_15 : vector<1024x128xi1>, vector<1024x128xf32>
    %lt3A_16 = arith.constant 48 : i32
    %lt3A_17 = vector.broadcast %lt3A_16 : i32 to vector<1024x128xi32>
    %lt3A_18 = arith.cmpi slt, %iota3A, %lt3A_17 : vector<1024x128xi32>
    %get3A_19 = arith.constant 0 : index
    %get3A_20 = arith.constant 0 : index
    %get3A_21 = arith.constant 0 : index
    %get3A_22 = vector.load %arg3[%get3A_19, %get3A_20, %get3A_21] : memref<1x1024x128xf32, #tpu.memory_space<vmem>>, vector<1x1024x128xf32>
    %get3A_23 = vector.shape_cast %get3A_22 : vector<1x1024x128xf32> to vector<1024x128xf32>
    %jit3A = arith.constant 0.000000e+00 : f32
    %broadcast_in_dim3A = vector.broadcast %jit3A : f32 to vector<1024x128xf32>
    %select_n3A_24 = arith.select %lt3A_18, %get3A_23, %broadcast_in_dim3A : vector<1024x128xi1>, vector<1024x128xf32>
    %iota3A_25 = tpu.iota {dimensions = array<i32: 0>} : vector<128x16xi32>
    %iota3A_26 = tpu.iota {dimensions = array<i32: 1>} : vector<128x16xi32>
    %jit3A_27 = arith.constant 16 : i32
    %eq3A = arith.constant 0 : i32
    %eq3A_28 = arith.cmpi eq, %jit3A_27, %eq3A : i32
    %jit3A_29 = arith.constant 1 : i32
    %select_n3A_30 = arith.select %eq3A_28, %jit3A_29, %jit3A_27 : i32
    %rem3A = vector.broadcast %select_n3A_30 : i32 to vector<128x16xi32>
    %rem3A_31 = arith.remsi %iota3A_25, %rem3A : vector<128x16xi32>
    %ne3A = arith.constant 0 : i32
    %ne3A_32 = vector.broadcast %ne3A : i32 to vector<128x16xi32>
    %ne3A_33 = arith.cmpi ne, %rem3A_31, %ne3A_32 : vector<128x16xi32>
    %lt3A_34 = arith.constant 0 : i32
    %lt3A_35 = vector.broadcast %lt3A_34 : i32 to vector<128x16xi32>
    %lt3A_36 = arith.cmpi slt, %rem3A_31, %lt3A_35 : vector<128x16xi32>
    %lt3A_37 = arith.constant 0 : i32
    %lt3A_38 = arith.cmpi slt, %select_n3A_30, %lt3A_37 : i32
    %ne3A_39 = vector.broadcast %lt3A_38 : i1 to vector<128x16xi1>
    %ne3A_40 = vector.broadcast %ne3A_39 : vector<128x16xi1> to vector<128x16xi1>
    %ne3A_41 = arith.xori %lt3A_36, %ne3A_40 : vector<128x16xi1>
    %and3A = arith.andi %ne3A_41, %ne3A_33 : vector<128x16xi1>
    %add3A = vector.broadcast %select_n3A_30 : i32 to vector<128x16xi32>
    %add3A_42 = arith.addi %rem3A_31, %add3A : vector<128x16xi32>
    %select_n3A_43 = arith.select %and3A, %add3A_42, %rem3A_31 : vector<128x16xi1>, vector<128x16xi32>
    %eq3A_44 = arith.cmpi eq, %select_n3A_43, %iota3A_26 : vector<128x16xi32>
    %convert_element_type3A = arith.extui %eq3A_44 : vector<128x16xi1> to vector<128x16xi32>
    %convert_element_type3A_45 = arith.sitofp %convert_element_type3A : vector<128x16xi32> to vector<128x16xf32>
    %add3A_46 = arith.addf %get3A_3, %select_n3A : vector<1024x128xf32>
    %add3A_47 = arith.addf %add3A_46, %select_n3A_24 : vector<1024x128xf32>
    %mul3A = arith.mulf %get3A_3, %get3A_3 : vector<1024x128xf32>
    %mul3A_48 = arith.mulf %select_n3A, %select_n3A : vector<1024x128xf32>
    %add3A_49 = arith.addf %mul3A, %mul3A_48 : vector<1024x128xf32>
    %mul3A_50 = arith.mulf %select_n3A_24, %select_n3A_24 : vector<1024x128xf32>
    %add3A_51 = arith.addf %add3A_49, %mul3A_50 : vector<1024x128xf32>
    %dot_general3A = arith.constant dense<0.000000e+00> : vector<1024x16xf32>
    %dot_general3A_52 = tpu.matmul %add3A_47, %convert_element_type3A_45, %dot_general3A {dimension_numbers = #tpu.dot_dimension_numbers<[1], [0], [0], [1], [0, 0, 1, 1], [], []>, transpose_lhs_hint = false} : vector<1024x128xf32>, vector<128x16xf32>, vector<1024x16xf32> -> vector<1024x16xf32>
    %dot_general3A_53 = arith.constant dense<0.000000e+00> : vector<1024x16xf32>
    %dot_general3A_54 = tpu.matmul %add3A_51, %convert_element_type3A_45, %dot_general3A_53 {dimension_numbers = #tpu.dot_dimension_numbers<[1], [0], [0], [1], [0, 0, 1, 1], [], []>, transpose_lhs_hint = false} : vector<1024x128xf32>, vector<128x16xf32>, vector<1024x16xf32> -> vector<1024x16xf32>
    %reduce_sum3A = arith.constant dense<0.000000e+00> : vector<1024xf32>
    %reduce_sum3A_55 = vector.multi_reduction <add>, %dot_general3A_52, %reduce_sum3A [1] : vector<1024x16xf32> to vector<1024xf32>
    %mul3A_56 = arith.mulf %dot_general3A_52, %dot_general3A_52 : vector<1024x16xf32>
    %reduce_sum3A_57 = arith.constant dense<0.000000e+00> : vector<1024xf32>
    %reduce_sum3A_58 = vector.multi_reduction <add>, %mul3A_56, %reduce_sum3A_57 [1] : vector<1024x16xf32> to vector<1024xf32>
    %reduce_sum3A_59 = arith.constant dense<0.000000e+00> : vector<1024xf32>
    %reduce_sum3A_60 = vector.multi_reduction <add>, %dot_general3A_54, %reduce_sum3A_59 [1] : vector<1024x16xf32> to vector<1024xf32>
    %sub3A = arith.subf %reduce_sum3A_58, %reduce_sum3A_60 : vector<1024xf32>
    %mul3A_61 = arith.constant 5.000000e-01 : f32
    %mul3A_62 = vector.broadcast %mul3A_61 : f32 to vector<1024xf32>
    %mul3A_63 = arith.mulf %mul3A_62, %sub3A : vector<1024xf32>
    %get3A_64 = arith.constant 0 : index
    %get3A_65 = arith.constant 0 : index
    %get3A_66 = vector.load %arg4[%get3A_64, %get3A_65] : memref<128x400xf32, #tpu.memory_space<vmem>>, vector<128x400xf32>
    %dot_general3A_67 = arith.constant dense<0.000000e+00> : vector<1024x400xf32>
    %dot_general3A_68 = tpu.matmul %get3A_3, %get3A_66, %dot_general3A_67 {dimension_numbers = #tpu.dot_dimension_numbers<[1], [0], [0], [1], [0, 0, 1, 1], [], []>, transpose_lhs_hint = false} : vector<1024x128xf32>, vector<128x400xf32>, vector<1024x400xf32> -> vector<1024x400xf32>
    %get3A_69 = arith.constant 0 : index
    %get3A_70 = arith.constant 0 : index
    %get3A_71 = vector.load %arg5[%get3A_69, %get3A_70] : memref<128x400xf32, #tpu.memory_space<vmem>>, vector<128x400xf32>
    %dot_general3A_72 = arith.constant dense<0.000000e+00> : vector<1024x400xf32>
    %dot_general3A_73 = tpu.matmul %select_n3A, %get3A_71, %dot_general3A_72 {dimension_numbers = #tpu.dot_dimension_numbers<[1], [0], [0], [1], [0, 0, 1, 1], [], []>, transpose_lhs_hint = false} : vector<1024x128xf32>, vector<128x400xf32>, vector<1024x400xf32> -> vector<1024x400xf32>
    %add3A_74 = arith.addf %dot_general3A_68, %dot_general3A_73 : vector<1024x400xf32>
    %get3A_75 = arith.constant 0 : index
    %get3A_76 = arith.constant 0 : index
    %get3A_77 = vector.load %arg6[%get3A_75, %get3A_76] : memref<128x400xf32, #tpu.memory_space<vmem>>, vector<128x400xf32>
    %dot_general3A_78 = arith.constant dense<0.000000e+00> : vector<1024x400xf32>
    %dot_general3A_79 = tpu.matmul %select_n3A_24, %get3A_77, %dot_general3A_78 {dimension_numbers = #tpu.dot_dimension_numbers<[1], [0], [0], [1], [0, 0, 1, 1], [], []>, transpose_lhs_hint = false} : vector<1024x128xf32>, vector<128x400xf32>, vector<1024x400xf32> -> vector<1024x400xf32>
    %add3A_80 = arith.addf %add3A_74, %dot_general3A_79 : vector<1024x400xf32>
    %get3A_81 = arith.constant 0 : index
    %get3A_82 = arith.constant 0 : index
    %get3A_83 = vector.load %arg7[%get3A_81, %get3A_82] : memref<1x400xf32, #tpu.memory_space<vmem>>, vector<1x400xf32>
    %add3A_84 = vector.broadcast %get3A_83 : vector<1x400xf32> to vector<1024x400xf32>
    %add3A_85 = arith.addf %add3A_80, %add3A_84 : vector<1024x400xf32>
    %max3A = arith.constant 0.000000e+00 : f32
    %max3A_86 = vector.broadcast %max3A : f32 to vector<1024x400xf32>
    %max3A_87 = arith.maximumf %add3A_85, %max3A_86 : vector<1024x400xf32>
    %get3A_88 = arith.constant 0 : index
    %get3A_89 = arith.constant 0 : index
    %get3A_90 = vector.load %arg8[%get3A_88, %get3A_89] : memref<400x400xf32, #tpu.memory_space<vmem>>, vector<400x400xf32>
    %dot_general3A_91 = arith.constant dense<0.000000e+00> : vector<1024x400xf32>
    %dot_general3A_92 = tpu.matmul %max3A_87, %get3A_90, %dot_general3A_91 {dimension_numbers = #tpu.dot_dimension_numbers<[1], [0], [0], [1], [0, 0, 1, 1], [], []>, transpose_lhs_hint = false} : vector<1024x400xf32>, vector<400x400xf32>, vector<1024x400xf32> -> vector<1024x400xf32>
    %get3A_93 = arith.constant 0 : index
    %get3A_94 = arith.constant 0 : index
    %get3A_95 = vector.load %arg9[%get3A_93, %get3A_94] : memref<1x400xf32, #tpu.memory_space<vmem>>, vector<1x400xf32>
    %add3A_96 = vector.broadcast %get3A_95 : vector<1x400xf32> to vector<1024x400xf32>
    %add3A_97 = arith.addf %dot_general3A_92, %add3A_96 : vector<1024x400xf32>
    %max3A_98 = arith.constant 0.000000e+00 : f32
    %max3A_99 = vector.broadcast %max3A_98 : f32 to vector<1024x400xf32>
    %max3A_100 = arith.maximumf %add3A_97, %max3A_99 : vector<1024x400xf32>
    %get3A_101 = arith.constant 0 : index
    %get3A_102 = arith.constant 0 : index
    %get3A_103 = vector.load %arg10[%get3A_101, %get3A_102] : memref<400x400xf32, #tpu.memory_space<vmem>>, vector<400x400xf32>
    %dot_general3A_104 = arith.constant dense<0.000000e+00> : vector<1024x400xf32>
    %dot_general3A_105 = tpu.matmul %max3A_100, %get3A_103, %dot_general3A_104 {dimension_numbers = #tpu.dot_dimension_numbers<[1], [0], [0], [1], [0, 0, 1, 1], [], []>, transpose_lhs_hint = false} : vector<1024x400xf32>, vector<400x400xf32>, vector<1024x400xf32> -> vector<1024x400xf32>
    %get3A_106 = arith.constant 0 : index
    %get3A_107 = arith.constant 0 : index
    %get3A_108 = vector.load %arg11[%get3A_106, %get3A_107] : memref<1x400xf32, #tpu.memory_space<vmem>>, vector<1x400xf32>
    %add3A_109 = vector.broadcast %get3A_108 : vector<1x400xf32> to vector<1024x400xf32>
    %add3A_110 = arith.addf %dot_general3A_105, %add3A_109 : vector<1024x400xf32>
    %max3A_111 = arith.constant 0.000000e+00 : f32
    %max3A_112 = vector.broadcast %max3A_111 : f32 to vector<1024x400xf32>
    %max3A_113 = arith.maximumf %add3A_110, %max3A_112 : vector<1024x400xf32>
    %get3A_114 = arith.constant 0 : index
    %get3A_115 = arith.constant 0 : index
    %get3A_116 = vector.load %arg12[%get3A_114, %get3A_115] : memref<1x400xf32, #tpu.memory_space<vmem>>, vector<1x400xf32>
    %mul3A_117 = vector.broadcast %get3A_116 : vector<1x400xf32> to vector<1024x400xf32>
    %mul3A_118 = arith.mulf %max3A_113, %mul3A_117 : vector<1024x400xf32>
    %reduce_sum3A_119 = arith.constant dense<0.000000e+00> : vector<1024xf32>
    %reduce_sum3A_120 = vector.multi_reduction <add>, %mul3A_118, %reduce_sum3A_119 [1] : vector<1024x400xf32> to vector<1024xf32>
    %add3A_121 = arith.addf %reduce_sum3A_55, %mul3A_63 : vector<1024xf32>
    %add3A_122 = arith.addf %add3A_121, %reduce_sum3A_120 : vector<1024xf32>
    %get3A_123 = arith.constant 0 : index
    %get3A_124 = arith.constant 0 : index
    %get3A_125 = vector.load %arg13[%get3A_123, %get3A_124] : memref<1x1xf32, #tpu.memory_space<vmem>>, vector<1x1xf32>
    %get3A_126 = vector.extract %get3A_125[0, 0] : f32 from vector<1x1xf32>
    %add3A_127 = vector.broadcast %get3A_126 : f32 to vector<1024xf32>
    %add3A_128 = arith.addf %add3A_122, %add3A_127 : vector<1024xf32>
    %logistic3A = arith.negf %add3A_128 : vector<1024xf32>
    %logistic3A_129 = math.exp %logistic3A : vector<1024xf32>
    %logistic3A_130 = arith.constant 1.000000e+00 : f32
    %logistic3A_131 = vector.broadcast %logistic3A_130 : f32 to vector<1024xf32>
    %logistic3A_132 = arith.addf %logistic3A_131, %logistic3A_129 : vector<1024xf32>
    %logistic3A_133 = arith.divf %logistic3A_131, %logistic3A_132 : vector<1024xf32>
    %broadcast_in_dim3A_134 = vector.shape_cast %logistic3A_133 : vector<1024xf32> to vector<1x1x1024xf32>
    %swap3A = arith.constant 0 : index
    %swap3A_135 = arith.constant 0 : index
    %swap3A_136 = arith.constant 0 : index
    %swap3A_137 = vector.load %arg14[%swap3A, %swap3A_135, %swap3A_136] : memref<1x1x1024xf32, #tpu.memory_space<vmem>>, vector<1x1x1024xf32>
    tpu.vector_store %arg14[%swap3A, %swap3A_135, %swap3A_136], %broadcast_in_dim3A_134 {strides = array<i32>} : memref<1x1x1024xf32, #tpu.memory_space<vmem>>, vector<1x1x1024xf32>,
    return
  }
  func.func @transform_0(%arg0: i32) -> (i32, i32, i32) {
    %add3A = arith.constant 8 : i32
    %add3A_0 = arith.addi %add3A, %arg0 : i32
    %c0_i32 = arith.constant 0 : i32
    %c0_i32_1 = arith.constant 0 : i32
    %c0_i32_2 = arith.constant 0 : i32
    return %c0_i32, %add3A_0, %c0_i32_1 : i32, i32, i32
  }
  func.func @transform_1(%arg0: i32) -> (i32, i32, i32) {
    %add3A = arith.constant 8 : i32
    %add3A_0 = arith.addi %add3A, %arg0 : i32
    %c0_i32 = arith.constant 0 : i32
    %c0_i32_1 = arith.constant 0 : i32
    %c0_i32_2 = arith.constant 0 : i32
    return %c0_i32, %add3A_0, %c0_i32_1 : i32, i32, i32
  }
  func.func @transform_2(%arg0: i32) -> (i32, i32, i32) {
    %c0_i32 = arith.constant 0 : i32
    %c0_i32_0 = arith.constant 0 : i32
    %c0_i32_1 = arith.constant 0 : i32
    return %c0_i32, %arg0, %c0_i32_0 : i32, i32, i32
  }
  func.func @transform_3(%arg0: i32) -> (i32, i32) {
    %c0_i32 = arith.constant 0 : i32
    %c0_i32_0 = arith.constant 0 : i32
    %c0_i32_1 = arith.constant 0 : i32
    return %c0_i32, %c0_i32_0 : i32, i32
  }
  func.func @transform_4(%arg0: i32) -> (i32, i32) {
    %c0_i32 = arith.constant 0 : i32
    %c0_i32_0 = arith.constant 0 : i32
    %c0_i32_1 = arith.constant 0 : i32
    return %c0_i32, %c0_i32_0 : i32, i32
  }
  func.func @transform_5(%arg0: i32) -> (i32, i32) {
    %c0_i32 = arith.constant 0 : i32
    %c0_i32_0 = arith.constant 0 : i32
    %c0_i32_1 = arith.constant 0 : i32
    return %c0_i32, %c0_i32_0 : i32, i32
  }
  func.func @transform_6(%arg0: i32) -> (i32, i32) {
    %c0_i32 = arith.constant 0 : i32
    %c0_i32_0 = arith.constant 0 : i32
    %c0_i32_1 = arith.constant 0 : i32
    return %c0_i32, %c0_i32_0 : i32, i32
  }
  func.func @transform_7(%arg0: i32) -> (i32, i32) {
    %c0_i32 = arith.constant 0 : i32
    %c0_i32_0 = arith.constant 0 : i32
    %c0_i32_1 = arith.constant 0 : i32
    return %c0_i32, %c0_i32_0 : i32, i32
  }
  func.func @transform_8(%arg0: i32) -> (i32, i32) {
    %c0_i32 = arith.constant 0 : i32
    %c0_i32_0 = arith.constant 0 : i32
    %c0_i32_1 = arith.constant 0 : i32
    return %c0_i32, %c0_i32_0 : i32, i32
  }
  func.func @transform_9(%arg0: i32) -> (i32, i32) {
    %c0_i32 = arith.constant 0 : i32
    %c0_i32_0 = arith.constant 0 : i32
    %c0_i32_1 = arith.constant 0 : i32
    return %c0_i32, %c0_i32_0 : i32, i32
  }
  func.func @transform_10(%arg0: i32) -> (i32, i32) {
    %c0_i32 = arith.constant 0 : i32
    %c0_i32_0 = arith.constant 0 : i32
    %c0_i32_1 = arith.constant 0 : i32
    return %c0_i32, %c0_i32_0 : i32, i32
  }
  func.func @transform_11(%arg0: i32) -> (i32, i32) {
    %c0_i32 = arith.constant 0 : i32
    %c0_i32_0 = arith.constant 0 : i32
    %c0_i32_1 = arith.constant 0 : i32
    return %c0_i32, %c0_i32_0 : i32, i32
  }
  func.func @transform_12(%arg0: i32) -> (i32, i32) {
    %c0_i32 = arith.constant 0 : i32
    %c0_i32_0 = arith.constant 0 : i32
    %c0_i32_1 = arith.constant 0 : i32
    return %c0_i32, %c0_i32_0 : i32, i32
  }
  func.func @transform_13(%arg0: i32) -> (i32, i32, i32) {
    %c0_i32 = arith.constant 0 : i32
    %c0_i32_0 = arith.constant 0 : i32
    %c0_i32_1 = arith.constant 0 : i32
    return %arg0, %c0_i32, %c0_i32_0 : i32, i32, i32
  }
}

module attributes {stable_mosaic.version = 14 : i64} {
  func.func @_tc_body(%arg0: i32, %arg1: memref<2x1024x128xf32, #tpu.memory_space<vmem>>, %arg2: memref<1x1024x128xf32, #tpu.memory_space<vmem>>, %arg3: memref<1x1024x128xf32, #tpu.memory_space<vmem>>, %arg4: memref<128x400xf32, #tpu.memory_space<vmem>>, %arg5: memref<128x400xf32, #tpu.memory_space<vmem>>, %arg6: memref<128x400xf32, #tpu.memory_space<vmem>>, %arg7: memref<1x400xf32, #tpu.memory_space<vmem>>, %arg8: memref<400x400xf32, #tpu.memory_space<vmem>>, %arg9: memref<1x400xf32, #tpu.memory_space<vmem>>, %arg10: memref<400x400xf32, #tpu.memory_space<vmem>>, %arg11: memref<1x400xf32, #tpu.memory_space<vmem>>, %arg12: memref<1x400xf32, #tpu.memory_space<vmem>>, %arg13: memref<1x1xf32, #tpu.memory_space<vmem>>, %arg14: memref<1x1x1024xf32, #tpu.memory_space<vmem>>) attributes {dimension_semantics = [#tpu.dimension_semantics<arbitrary>], iteration_bounds = array<i64: 8>, scalar_prefetch = 0 : i64, scratch_operands = 0 : i64, tpu.core_type = #tpu.core_type<tc>, window_params = [{transform_indices = @transform_0, window_bounds = array<i64: 2, 1024, 128>}, {transform_indices = @transform_1, window_bounds = array<i64: 1, 1024, 128>}, {transform_indices = @transform_2, window_bounds = array<i64: 1, 1024, 128>}, {pipeline_mode = #tpu.pipeline_mode<synchronous>, transform_indices = @transform_3, window_bounds = array<i64: 128, 400>}, {pipeline_mode = #tpu.pipeline_mode<synchronous>, transform_indices = @transform_4, window_bounds = array<i64: 128, 400>}, {pipeline_mode = #tpu.pipeline_mode<synchronous>, transform_indices = @transform_5, window_bounds = array<i64: 128, 400>}, {pipeline_mode = #tpu.pipeline_mode<synchronous>, transform_indices = @transform_6, window_bounds = array<i64: 1, 400>}, {pipeline_mode = #tpu.pipeline_mode<synchronous>, transform_indices = @transform_7, window_bounds = array<i64: 400, 400>}, {pipeline_mode = #tpu.pipeline_mode<synchronous>, transform_indices = @transform_8, window_bounds = array<i64: 1, 400>}, {pipeline_mode = #tpu.pipeline_mode<synchronous>, transform_indices = @transform_9, window_bounds = array<i64: 400, 400>}, {pipeline_mode = #tpu.pipeline_mode<synchronous>, transform_indices = @transform_10, window_bounds = array<i64: 1, 400>}, {pipeline_mode = #tpu.pipeline_mode<synchronous>, transform_indices = @transform_11, window_bounds = array<i64: 1, 400>}, {pipeline_mode = #tpu.pipeline_mode<synchronous>, transform_indices = @transform_12, window_bounds = array<i64: 1, 1>}, {transform_indices = @transform_13, window_bounds = array<i64: 1, 1, 1024>}]} {
    %iota3A = tpu.iota {dimensions = array<i32: 1>} : vector<1024x128xi32>
    %get3A = arith.constant 0 : index
    %get3A_0 = arith.constant 0 : index
    %get3A_1 = arith.constant 0 : index
    %get3A_2 = vector.load %arg1[%get3A, %get3A_0, %get3A_1] : memref<2x1024x128xf32, #tpu.memory_space<vmem>>, vector<1x1024x128xf32>
    %get3A_3 = vector.shape_cast %get3A_2 : vector<1x1024x128xf32> to vector<1024x128xf32>
    %lt3A = arith.constant 32 : i32
    %lt3A_4 = vector.broadcast %lt3A : i32 to vector<1024x128xi32>
    %lt3A_5 = arith.cmpi slt, %iota3A, %lt3A_4 : vector<1024x128xi32>
    %get3A_6 = arith.constant 1 : index
    %get3A_7 = arith.constant 0 : index
    %get3A_8 = arith.constant 0 : index
    %get3A_9 = vector.load %arg1[%get3A_6, %get3A_7, %get3A_8] : memref<2x1024x128xf32, #tpu.memory_space<vmem>>, vector<1x1024x128xf32>
    %get3A_10 = vector.shape_cast %get3A_9 : vector<1x1024x128xf32> to vector<1024x128xf32>
    %get3A_11 = arith.constant 0 : index
    %get3A_12 = arith.constant 0 : index
    %get3A_13 = arith.constant 0 : index
    %get3A_14 = vector.load %arg2[%get3A_11, %get3A_12, %get3A_13] : memref<1x1024x128xf32, #tpu.memory_space<vmem>>, vector<1x1024x128xf32>
    %get3A_15 = vector.shape_cast %get3A_14 : vector<1x1024x128xf32> to vector<1024x128xf32>
    %select_n3A = arith.select %lt3A_5, %get3A_10, %get3A_15 : vector<1024x128xi1>, vector<1024x128xf32>
    %lt3A_16 = arith.constant 48 : i32
    %lt3A_17 = vector.broadcast %lt3A_16 : i32 to vector<1024x128xi32>
    %lt3A_18 = arith.cmpi slt, %iota3A, %lt3A_17 : vector<1024x128xi32>
    %get3A_19 = arith.constant 0 : index
    %get3A_20 = arith.constant 0 : index
    %get3A_21 = arith.constant 0 : index
    %get3A_22 = vector.load %arg3[%get3A_19, %get3A_20, %get3A_21] : memref<1x1024x128xf32, #tpu.memory_space<vmem>>, vector<1x1024x128xf32>
    %get3A_23 = vector.shape_cast %get3A_22 : vector<1x1024x128xf32> to vector<1024x128xf32>
    %jit3A = arith.constant 0.000000e+00 : f32
    %broadcast_in_dim3A = vector.broadcast %jit3A : f32 to vector<1024x128xf32>
    %select_n3A_24 = arith.select %lt3A_18, %get3A_23, %broadcast_in_dim3A : vector<1024x128xi1>, vector<1024x128xf32>
    %iota3A_25 = tpu.iota {dimensions = array<i32: 0>} : vector<128x16xi32>
    %iota3A_26 = tpu.iota {dimensions = array<i32: 1>} : vector<128x16xi32>
    %jit3A_27 = arith.constant 16 : i32
    %eq3A = arith.constant 0 : i32
    %eq3A_28 = arith.cmpi eq, %jit3A_27, %eq3A : i32
    %jit3A_29 = arith.constant 1 : i32
    %select_n3A_30 = arith.select %eq3A_28, %jit3A_29, %jit3A_27 : i32
    %rem3A = vector.broadcast %select_n3A_30 : i32 to vector<128x16xi32>
    %rem3A_31 = arith.remsi %iota3A_25, %rem3A : vector<128x16xi32>
    %ne3A = arith.constant 0 : i32
    %ne3A_32 = vector.broadcast %ne3A : i32 to vector<128x16xi32>
    %ne3A_33 = arith.cmpi ne, %rem3A_31, %ne3A_32 : vector<128x16xi32>
    %lt3A_34 = arith.constant 0 : i32
    %lt3A_35 = vector.broadcast %lt3A_34 : i32 to vector<128x16xi32>
    %lt3A_36 = arith.cmpi slt, %rem3A_31, %lt3A_35 : vector<128x16xi32>
    %lt3A_37 = arith.constant 0 : i32
    %lt3A_38 = arith.cmpi slt, %select_n3A_30, %lt3A_37 : i32
    %ne3A_39 = vector.broadcast %lt3A_38 : i1 to vector<128x16xi1>
    %ne3A_40 = vector.broadcast %ne3A_39 : vector<128x16xi1> to vector<128x16xi1>
    %ne3A_41 = arith.xori %lt3A_36, %ne3A_40 : vector<128x16xi1>
    %and3A = arith.andi %ne3A_41, %ne3A_33 : vector<128x16xi1>
    %add3A = vector.broadcast %select_n3A_30 : i32 to vector<128x16xi32>
    %add3A_42 = arith.addi %rem3A_31, %add3A : vector<128x16xi32>
    %select_n3A_43 = arith.select %and3A, %add3A_42, %rem3A_31 : vector<128x16xi1>, vector<128x16xi32>
    %eq3A_44 = arith.cmpi eq, %select_n3A_43, %iota3A_26 : vector<128x16xi32>
    %convert_element_type3A = arith.extui %eq3A_44 : vector<128x16xi1> to vector<128x16xi32>
    %convert_element_type3A_45 = arith.sitofp %convert_element_type3A : vector<128x16xi32> to vector<128x16xf32>
    %add3A_46 = arith.addf %get3A_3, %select_n3A : vector<1024x128xf32>
    %add3A_47 = arith.addf %add3A_46, %select_n3A_24 : vector<1024x128xf32>
    %mul3A = arith.mulf %get3A_3, %get3A_3 : vector<1024x128xf32>
    %mul3A_48 = arith.mulf %select_n3A, %select_n3A : vector<1024x128xf32>
    %add3A_49 = arith.addf %mul3A, %mul3A_48 : vector<1024x128xf32>
    %mul3A_50 = arith.mulf %select_n3A_24, %select_n3A_24 : vector<1024x128xf32>
    %add3A_51 = arith.addf %add3A_49, %mul3A_50 : vector<1024x128xf32>
    %dot_general3A = arith.constant dense<0.000000e+00> : vector<1024x16xf32>
    %dot_general3A_52 = tpu.matmul %add3A_47, %convert_element_type3A_45, %dot_general3A {dimension_numbers = #tpu.dot_dimension_numbers<[1], [0], [0], [1], [0, 0, 1, 1], [], []>, transpose_lhs_hint = false} : vector<1024x128xf32>, vector<128x16xf32>, vector<1024x16xf32> -> vector<1024x16xf32>
    %dot_general3A_53 = arith.constant dense<0.000000e+00> : vector<1024x16xf32>
    %dot_general3A_54 = tpu.matmul %add3A_51, %convert_element_type3A_45, %dot_general3A_53 {dimension_numbers = #tpu.dot_dimension_numbers<[1], [0], [0], [1], [0, 0, 1, 1], [], []>, transpose_lhs_hint = false} : vector<1024x128xf32>, vector<128x16xf32>, vector<1024x16xf32> -> vector<1024x16xf32>
    %reduce_sum3A = arith.constant dense<0.000000e+00> : vector<1024xf32>
    %reduce_sum3A_55 = vector.multi_reduction <add>, %dot_general3A_52, %reduce_sum3A [1] : vector<1024x16xf32> to vector<1024xf32>
    %mul3A_56 = arith.mulf %dot_general3A_52, %dot_general3A_52 : vector<1024x16xf32>
    %reduce_sum3A_57 = arith.constant dense<0.000000e+00> : vector<1024xf32>
    %reduce_sum3A_58 = vector.multi_reduction <add>, %mul3A_56, %reduce_sum3A_57 [1] : vector<1024x16xf32> to vector<1024xf32>
    %reduce_sum3A_59 = arith.constant dense<0.000000e+00> : vector<1024xf32>
    %reduce_sum3A_60 = vector.multi_reduction <add>, %dot_general3A_54, %reduce_sum3A_59 [1] : vector<1024x16xf32> to vector<1024xf32>
    %sub3A = arith.subf %reduce_sum3A_58, %reduce_sum3A_60 : vector<1024xf32>
    %mul3A_61 = arith.constant 5.000000e-01 : f32
    %mul3A_62 = vector.broadcast %mul3A_61 : f32 to vector<1024xf32>
    %mul3A_63 = arith.mulf %mul3A_62, %sub3A : vector<1024xf32>
    %get3A_64 = arith.constant 0 : index
    %get3A_65 = arith.constant 0 : index
    %get3A_66 = vector.load %arg4[%get3A_64, %get3A_65] : memref<128x400xf32, #tpu.memory_space<vmem>>, vector<128x400xf32>
    %dot_general3A_67 = arith.constant dense<0.000000e+00> : vector<1024x400xf32>
    %dot_general3A_68 = tpu.matmul %get3A_3, %get3A_66, %dot_general3A_67 {dimension_numbers = #tpu.dot_dimension_numbers<[1], [0], [0], [1], [0, 0, 1, 1], [], []>, transpose_lhs_hint = false} : vector<1024x128xf32>, vector<128x400xf32>, vector<1024x400xf32> -> vector<1024x400xf32>
    %get3A_69 = arith.constant 0 : index
    %get3A_70 = arith.constant 0 : index
    %get3A_71 = vector.load %arg5[%get3A_69, %get3A_70] : memref<128x400xf32, #tpu.memory_space<vmem>>, vector<128x400xf32>
    %dot_general3A_72 = arith.constant dense<0.000000e+00> : vector<1024x400xf32>
    %dot_general3A_73 = tpu.matmul %select_n3A, %get3A_71, %dot_general3A_72 {dimension_numbers = #tpu.dot_dimension_numbers<[1], [0], [0], [1], [0, 0, 1, 1], [], []>, transpose_lhs_hint = false} : vector<1024x128xf32>, vector<128x400xf32>, vector<1024x400xf32> -> vector<1024x400xf32>
    %add3A_74 = arith.addf %dot_general3A_68, %dot_general3A_73 : vector<1024x400xf32>
    %get3A_75 = arith.constant 0 : index
    %get3A_76 = arith.constant 0 : index
    %get3A_77 = vector.load %arg6[%get3A_75, %get3A_76] : memref<128x400xf32, #tpu.memory_space<vmem>>, vector<128x400xf32>
    %dot_general3A_78 = arith.constant dense<0.000000e+00> : vector<1024x400xf32>
    %dot_general3A_79 = tpu.matmul %select_n3A_24, %get3A_77, %dot_general3A_78 {dimension_numbers = #tpu.dot_dimension_numbers<[1], [0], [0], [1], [0, 0, 1, 1], [], []>, transpose_lhs_hint = false} : vector<1024x128xf32>, vector<128x400xf32>, vector<1024x400xf32> -> vector<1024x400xf32>
    %add3A_80 = arith.addf %add3A_74, %dot_general3A_79 : vector<1024x400xf32>
    %get3A_81 = arith.constant 0 : index
    %get3A_82 = arith.constant 0 : index
    %get3A_83 = vector.load %arg7[%get3A_81, %get3A_82] : memref<1x400xf32, #tpu.memory_space<vmem>>, vector<1x400xf32>
    %add3A_84 = vector.broadcast %get3A_83 : vector<1x400xf32> to vector<1024x400xf32>
    %add3A_85 = arith.addf %add3A_80, %add3A_84 : vector<1024x400xf32>
    %max3A = arith.constant 0.000000e+00 : f32
    %max3A_86 = vector.broadcast %max3A : f32 to vector<1024x400xf32>
    %max3A_87 = arith.maximumf %add3A_85, %max3A_86 : vector<1024x400xf32>
    %get3A_88 = arith.constant 0 : index
    %get3A_89 = arith.constant 0 : index
    %get3A_90 = vector.load %arg8[%get3A_88, %get3A_89] : memref<400x400xf32, #tpu.memory_space<vmem>>, vector<400x400xf32>
    %dot_general3A_91 = arith.constant dense<0.000000e+00> : vector<1024x400xf32>
    %dot_general3A_92 = tpu.matmul %max3A_87, %get3A_90, %dot_general3A_91 {dimension_numbers = #tpu.dot_dimension_numbers<[1], [0], [0], [1], [0, 0, 1, 1], [], []>, transpose_lhs_hint = false} : vector<1024x400xf32>, vector<400x400xf32>, vector<1024x400xf32> -> vector<1024x400xf32>
    %get3A_93 = arith.constant 0 : index
    %get3A_94 = arith.constant 0 : index
    %get3A_95 = vector.load %arg9[%get3A_93, %get3A_94] : memref<1x400xf32, #tpu.memory_space<vmem>>, vector<1x400xf32>
    %add3A_96 = vector.broadcast %get3A_95 : vector<1x400xf32> to vector<1024x400xf32>
    %add3A_97 = arith.addf %dot_general3A_92, %add3A_96 : vector<1024x400xf32>
    %max3A_98 = arith.constant 0.000000e+00 : f32
    %max3A_99 = vector.broadcast %max3A_98 : f32 to vector<1024x400xf32>
    %max3A_100 = arith.maximumf %add3A_97, %max3A_99 : vector<1024x400xf32>
    %get3A_101 = arith.constant 0 : index
    %get3A_102 = arith.constant 0 : index
    %get3A_103 = vector.load %arg10[%get3A_101, %get3A_102] : memref<400x400xf32, #tpu.memory_space<vmem>>, vector<400x400xf32>
    %dot_general3A_104 = arith.constant dense<0.000000e+00> : vector<1024x400xf32>
    %dot_general3A_105 = tpu.matmul %max3A_100, %get3A_103, %dot_general3A_104 {dimension_numbers = #tpu.dot_dimension_numbers<[1], [0], [0], [1], [0, 0, 1, 1], [], []>, transpose_lhs_hint = false} : vector<1024x400xf32>, vector<400x400xf32>, vector<1024x400xf32> -> vector<1024x400xf32>
    %get3A_106 = arith.constant 0 : index
    %get3A_107 = arith.constant 0 : index
    %get3A_108 = vector.load %arg11[%get3A_106, %get3A_107] : memref<1x400xf32, #tpu.memory_space<vmem>>, vector<1x400xf32>
    %add3A_109 = vector.broadcast %get3A_108 : vector<1x400xf32> to vector<1024x400xf32>
    %add3A_110 = arith.addf %dot_general3A_105, %add3A_109 : vector<1024x400xf32>
    %max3A_111 = arith.constant 0.000000e+00 : f32
    %max3A_112 = vector.broadcast %max3A_111 : f32 to vector<1024x400xf32>
    %max3A_113 = arith.maximumf %add3A_110, %max3A_112 : vector<1024x400xf32>
    %get3A_114 = arith.constant 0 : index
    %get3A_115 = arith.constant 0 : index
    %get3A_116 = vector.load %arg12[%get3A_114, %get3A_115] : memref<1x400xf32, #tpu.memory_space<vmem>>, vector<1x400xf32>
    %mul3A_117 = vector.broadcast %get3A_116 : vector<1x400xf32> to vector<1024x400xf32>
    %mul3A_118 = arith.mulf %max3A_113, %mul3A_117 : vector<1024x400xf32>
    %reduce_sum3A_119 = arith.constant dense<0.000000e+00> : vector<1024xf32>
    %reduce_sum3A_120 = vector.multi_reduction <add>, %mul3A_118, %reduce_sum3A_119 [1] : vector<1024x400xf32> to vector<1024xf32>
    %add3A_121 = arith.addf %reduce_sum3A_55, %mul3A_63 : vector<1024xf32>
    %add3A_122 = arith.addf %add3A_121, %reduce_sum3A_120 : vector<1024xf32>
    %get3A_123 = arith.constant 0 : index
    %get3A_124 = arith.constant 0 : index
    %get3A_125 = vector.load %arg13[%get3A_123, %get3A_124] : memref<1x1xf32, #tpu.memory_space<vmem>>, vector<1x1xf32>
    %get3A_126 = vector.extract %get3A_125[0, 0] : f32 from vector<1x1xf32>
    %add3A_127 = vector.broadcast %get3A_126 : f32 to vector<1024xf32>
    %add3A_128 = arith.addf %add3A_122, %add3A_127 : vector<1024xf32>
    %logistic3A = arith.negf %add3A_128 : vector<1024xf32>
    %logistic3A_129 = math.exp %logistic3A : vector<1024xf32>
    %logistic3A_130 = arith.constant 1.000000e+00 : f32
    %logistic3A_131 = vector.broadcast %logistic3A_130 : f32 to vector<1024xf32>
    %logistic3A_132 = arith.addf %logistic3A_131, %logistic3A_129 : vector<1024xf32>
    %logistic3A_133 = arith.divf %logistic3A_131, %logistic3A_132 : vector<1024xf32>
    %broadcast_in_dim3A_134 = vector.shape_cast %logistic3A_133 : vector<1024xf32> to vector<1x1x1024xf32>
    %swap3A = arith.constant 0 : index
    %swap3A_135 = arith.constant 0 : index
    %swap3A_136 = arith.constant 0 : index
    %swap3A_137 = vector.load %arg14[%swap3A, %swap3A_135, %swap3A_136] : memref<1x1x1024xf32, #tpu.memory_space<vmem>>, vector<1x1x1024xf32>
    tpu.vector_store %arg14[%swap3A, %swap3A_135, %swap3A_136], %broadcast_in_dim3A_134 {strides = array<i32>} : memref<1x1x1024xf32, #tpu.memory_space<vmem>>, vector<1x1x1024xf32>,
    return
  }
  func.func @transform_0(%arg0: i32) -> (i32, i32, i32) {
    %add3A = arith.constant 0 : i32
    %add3A_0 = arith.addi %add3A, %arg0 : i32
    %c0_i32 = arith.constant 0 : i32
    %c0_i32_1 = arith.constant 0 : i32
    %c0_i32_2 = arith.constant 0 : i32
    return %c0_i32, %add3A_0, %c0_i32_1 : i32, i32, i32
  }
  func.func @transform_1(%arg0: i32) -> (i32, i32, i32) {
    %add3A = arith.constant 0 : i32
    %add3A_0 = arith.addi %add3A, %arg0 : i32
    %c0_i32 = arith.constant 0 : i32
    %c0_i32_1 = arith.constant 0 : i32
    %c0_i32_2 = arith.constant 0 : i32
    return %c0_i32, %add3A_0, %c0_i32_1 : i32, i32, i32
  }
  func.func @transform_2(%arg0: i32) -> (i32, i32, i32) {
    %c0_i32 = arith.constant 0 : i32
    %c0_i32_0 = arith.constant 0 : i32
    %c0_i32_1 = arith.constant 0 : i32
    return %c0_i32, %arg0, %c0_i32_0 : i32, i32, i32
  }
  func.func @transform_3(%arg0: i32) -> (i32, i32) {
    %c0_i32 = arith.constant 0 : i32
    %c0_i32_0 = arith.constant 0 : i32
    %c0_i32_1 = arith.constant 0 : i32
    return %c0_i32, %c0_i32_0 : i32, i32
  }
  func.func @transform_4(%arg0: i32) -> (i32, i32) {
    %c0_i32 = arith.constant 0 : i32
    %c0_i32_0 = arith.constant 0 : i32
    %c0_i32_1 = arith.constant 0 : i32
    return %c0_i32, %c0_i32_0 : i32, i32
  }
  func.func @transform_5(%arg0: i32) -> (i32, i32) {
    %c0_i32 = arith.constant 0 : i32
    %c0_i32_0 = arith.constant 0 : i32
    %c0_i32_1 = arith.constant 0 : i32
    return %c0_i32, %c0_i32_0 : i32, i32
  }
  func.func @transform_6(%arg0: i32) -> (i32, i32) {
    %c0_i32 = arith.constant 0 : i32
    %c0_i32_0 = arith.constant 0 : i32
    %c0_i32_1 = arith.constant 0 : i32
    return %c0_i32, %c0_i32_0 : i32, i32
  }
  func.func @transform_7(%arg0: i32) -> (i32, i32) {
    %c0_i32 = arith.constant 0 : i32
    %c0_i32_0 = arith.constant 0 : i32
    %c0_i32_1 = arith.constant 0 : i32
    return %c0_i32, %c0_i32_0 : i32, i32
  }
  func.func @transform_8(%arg0: i32) -> (i32, i32) {
    %c0_i32 = arith.constant 0 : i32
    %c0_i32_0 = arith.constant 0 : i32
    %c0_i32_1 = arith.constant 0 : i32
    return %c0_i32, %c0_i32_0 : i32, i32
  }
  func.func @transform_9(%arg0: i32) -> (i32, i32) {
    %c0_i32 = arith.constant 0 : i32
    %c0_i32_0 = arith.constant 0 : i32
    %c0_i32_1 = arith.constant 0 : i32
    return %c0_i32, %c0_i32_0 : i32, i32
  }
  func.func @transform_10(%arg0: i32) -> (i32, i32) {
    %c0_i32 = arith.constant 0 : i32
    %c0_i32_0 = arith.constant 0 : i32
    %c0_i32_1 = arith.constant 0 : i32
    return %c0_i32, %c0_i32_0 : i32, i32
  }
  func.func @transform_11(%arg0: i32) -> (i32, i32) {
    %c0_i32 = arith.constant 0 : i32
    %c0_i32_0 = arith.constant 0 : i32
    %c0_i32_1 = arith.constant 0 : i32
    return %c0_i32, %c0_i32_0 : i32, i32
  }
  func.func @transform_12(%arg0: i32) -> (i32, i32) {
    %c0_i32 = arith.constant 0 : i32
    %c0_i32_0 = arith.constant 0 : i32
    %c0_i32_1 = arith.constant 0 : i32
    return %c0_i32, %c0_i32_0 : i32, i32
  }
  func.func @transform_13(%arg0: i32) -> (i32, i32, i32) {
    %c0_i32 = arith.constant 0 : i32
    %c0_i32_0 = arith.constant 0 : i32
    %c0_i32_1 = arith.constant 0 : i32
    return %arg0, %c0_i32, %c0_i32_0 : i32, i32, i32
  }
}

</mosaic_0001>

<sc_bundles>
// kernel: kernel.11.cloned.1.call-start
scs
__scs_entry_jumppad:
0x0: {  	(pc) =	sbr.rel $0x88, $3  }
0x1: {  	(tag) =	ssettag $0x0;
	lr =	simm.s32 $0x1  }
0x2: {  	[smem:$0x3F90] =	sst lr;
	_ =	strace $0xD0000000  }
0x3: {  	_ = 	snop  }
0x4: {  	_ = 	snop  }
0x5: {  	_ = 	snop  }
0x6: {  	_ = 	snop  }
0x7: {  	_ = 	snop  }
__scs_overlays_trampoline_lowered:
0x8: {  	[smem:$0x3F9F] =	sst s0  }
0x9: {  	[smem:$0x3FA0] =	sst s1  }
0xa: {  	[smem:$0x3FA1] =	sst s2  }
0xb: {  	[smem:$0x3FA2] =	sst s3  }
0xc: {  	[smem:$0x3FA3] =	sst s4  }
0xd: {  	[smem:$0x3FA4] =	sst s5  }
0xe: {  	[smem:$0x3FA5] =	sst s6  }
0xf: {  	[smem:$0x3FA6] =	sst s7  }
0x10: {  	[smem:$0x3FA7] =	sst s8  }
0x11: {  	[smem:$0x3FA8] =	sst s9;
	s0 =	simm.s32 @!p0 $0x0  }
0x12: {  	s1 =	sld [smem:$0x3F8E];
	s0 =	simm.s32 @p0 $0x1  }
0x13: {  	[smem:$0x3FA9] =	sst s0;
	s0 =	simm.s32 @!p1 $0x0  }
0x14: {  	s2 =	sld [smem:$0x3F8D];
	s0 =	simm.s32 @p1 $0x1  }
0x15: {  	[smem:$0x3FAA] =	sst s0;
	s0 =	simm.s32 @!p2 $0x0  }
0x16: {  	s3 =	sld [smem:$0x3FDB];
	s0 =	simm.s32 @p2 $0x1  }
0x17: {  	s4 =	simm.s32 $0x1BF5;
	[smem:$0x3FAC] =	sst s0  }
0x18: {  	s0 =	sld [smem:$0x3F8F];
	_ =	swait.ge [sflag:s4], $0x0  }
0x19: {  	s7 =	sld [smem:$0x3F90]  }
0x1a: {  	s8 =	sadd.s32 $0xFFFFE003, lr  }
0x1b: {  	s9 =	sadd.s32 $0xFFFFFEF7, lr;
	s5 =	simm.s32 $0xFFFFFFFF;
	p2 =	slt.u32 s8, $0xFFFFF086  }
0x1c: {  	p1 =	slt.u32 s9, $0xF7A;
	s5 =	simm.s32 @!p2 $0x0  }
0x1d: {  	s5 =	simm.s32 @p1 $0x1;
	p0 =	seq.s32 s7, s2  }
0x1e: {  	s7 =	smul.u32 @!p0 $0xF7A, s2;
	p2 =	seq.s32 @!p0 s5, $0x0  }
0x1f: {  	s9 =	smul.u32 $0xF7A, s1;
	s8 =	simm.s32 @!p0 $0x1BF5;
	p2 =	por !p2, p0  }
0x20: {  	[sflag:s8] =	ssyncset.s32 @!p0 $0xFFFFF086;
	s6 =	sadd.s32 @!p0 s3, s7;
	s7 =	simm.s32 @!p0 $0x108  }
0x21: {  	s3 =	sadd.s32 s3, s9;
	s6 =	sadd.s32 @!p0 $0x88, s6;
	s7 =	simm.s32 @p2 $0x1082  }
0x22: {  	[simem:s7], [sflag:s8] =	dma.local @!p0 [hbm:s6], $0xF7A  }
0x23: {  	s9 =	sor.u32 $0xD0000000, s2;
	s6 =	simm.s32 $0x108;
	_ =	swait.ge @!p0 [sflag:s8], $0x0  }
0x24: {  	s3 =	sadd.s32 $0x88, s3;
	s6 =	simm.s32 @!p1 $0x1082;
	[sflag:s4] =	ssyncset.s32 $0xFFFFF086  }
0x25: {  	[simem:s6], [sflag:s4] =	dma.local [hbm:s3], $0xF7A  }
0x26: {  	[smem:$0x3F90] =	sst s1;
	(tag) =	ssettag s2;
	_ =	strace s9  }
0x27: {  	s1 =	sld [smem:$0x3FA0]  }
0x28: {  	s2 =	sld [smem:$0x3FA1]  }
0x29: {  	s4 =	sld [smem:$0x3FA3]  }
0x2a: {  	p0 =	seq.s32 s5, $0x0;
	s5 =	sld [smem:$0x3FA4]  }
0x2b: {  	s6 =	sld [smem:$0x3FA5]  }
0x2c: {  	s7 =	sld [smem:$0x3FA6]  }
0x2d: {  	s3 =	simm.s32 $0x108;
	s8 =	sld [smem:$0x3FA7]  }
0x2e: {  	s3 =	simm.s32 @!p0 $0x1082;
	s9 =	sld [smem:$0x3FA8]  }
0x2f: {  	lr =	sadd.s32 s0, s3;
	s0 =	sld [smem:$0x3F9F]  }
0x30: {  	s3 =	sld [smem:$0x3FA2]  }
0x31: {  	[smem:$0x3FAB] =	sst s10  }
0x32: {  	s10 =	sld [smem:$0x3FA9];
	_ =	sdelay $0x3  }
0x33: {  	p0 =	seq.s32 s10, $0x1;
	s10 =	sld [smem:$0x3FAB];
	_ =	sdelay $0x3  }
0x34: {  	[smem:$0x3FAB] =	sst s10  }
0x35: {  	s10 =	sld [smem:$0x3FAA];
	_ =	sdelay $0x3  }
0x36: {  	p1 =	seq.s32 s10, $0x1;
	s10 =	sld [smem:$0x3FAB];
	_ =	sdelay $0x3  }
0x37: {  	[smem:$0x3FAB] =	sst s10  }
0x38: {  	s10 =	sld [smem:$0x3FAC]  }
0x39: {  	_ = 	snop;
	(pc) =	sbr.ind lr, $3  }
0x3a: {  	_ = 	snop  }
0x3b: {  	_ = 	snop  }
0x3c: {  	p2 =	seq.s32 s10, $0x1;
	s10 =	sld [smem:$0x3FAB]  }
0x3d: {  	_ =	shalt  }
0x3e: {  	_ =	shalt  }
0x3f: {  	_ =	shalt  }
0x40: {  	_ =	shalt  }
0x41: {  	_ =	shalt  }
0x42: {  	_ =	shalt  }
0x43: {  	_ =	shalt  }
0x44: {  	_ =	shalt  }
0x45: {  	_ =	shalt  }
0x46: {  	_ =	shalt  }
0x47: {  	_ =	shalt  }
0x48: {  	_ =	shalt  }
0x49: {  	_ =	shalt  }
0x4a: {  	_ =	shalt  }
0x4b: {  	_ =	shalt  }
0x4c: {  	_ =	shalt  }
0x4d: {  	_ =	shalt  }
0x4e: {  	_ =	shalt  }
0x4f: {  	_ =	shalt  }
0x50: {  	_ =	shalt  }
0x51: {  	_ =	shalt  }
0x52: {  	_ =	shalt  }
0x53: {  	_ =	shalt  }
0x54: {  	_ =	shalt  }
0x55: {  	_ =	shalt  }
0x56: {  	_ =	shalt  }
0x57: {  	_ =	shalt  }
0x58: {  	_ =	shalt  }
0x59: {  	_ =	shalt  }
0x5a: {  	_ =	shalt  }
0x5b: {  	_ =	shalt  }
0x5c: {  	_ =	shalt  }
0x5d: {  	_ =	shalt  }
0x5e: {  	_ =	shalt  }
0x5f: {  	_ =	shalt  }
0x60: {  	_ =	shalt  }
0x61: {  	_ =	shalt  }
0x62: {  	_ =	shalt  }
0x63: {  	_ =	shalt  }
0x64: {  	_ =	shalt  }
0x65: {  	_ =	shalt  }
0x66: {  	_ =	shalt  }
0x67: {  	_ =	shalt  }
0x68: {  	_ =	shalt  }
0x69: {  	_ =	shalt  }
0x6a: {  	_ =	shalt  }
0x6b: {  	_ =	shalt  }
0x6c: {  	_ =	shalt  }
0x6d: {  	_ =	shalt  }
0x6e: {  	_ =	shalt  }
0x6f: {  	_ =	shalt  }
0x70: {  	_ =	shalt  }
0x71: {  	_ =	shalt  }
0x72: {  	_ =	shalt  }
0x73: {  	_ =	shalt  }
0x74: {  	_ =	shalt  }
0x75: {  	_ =	shalt  }
0x76: {  	_ =	shalt  }
0x77: {  	_ =	shalt  }
0x78: {  	_ =	shalt  }
0x79: {  	_ =	shalt  }
0x7a: {  	_ =	shalt  }
0x7b: {  	_ =	shalt  }
0x7c: {  	_ =	shalt  }
0x7d: {  	_ =	shalt  }
0x7e: {  	_ =	shalt  }
0x7f: {  	_ =	shalt  }
0x80: {  	_ =	shalt  }
0x81: {  	_ =	shalt  }
0x82: {  	_ =	shalt  }
0x83: {  	_ =	shalt  }
0x84: {  	_ =	shalt  }
0x85: {  	_ =	shalt  }
0x86: {  	_ =	shalt  }
0x87: {  	_ =	shalt  }
.Lfunc_end0:
.L_simem_size_0:
called_computation_lowered:
.L_overlay_start_0:
0x88: {  	s2 =	sld [smem:$0x3FD9]  }
0x89: {  	s3 =	sld [smem:$0x3FFE];
	_ =	sdelay $0x1  }
0x8a: {  	s1 =	srdreg.scid  }
0x8b: {  	s0 =	sand.u32 $0x1, s1  }
0x8c: {  	s16 =	sshll.u32 s0, $0xA;
	s2 =	sadd.s32 s3, s2  }
0x8d: {  	s2 =	sadd.s32 s2, s16  }
0x8e: {  	[smem:$0x3FB7] =	sst s2  }
0x8f: {  	_ = 	snop  }
0x90: {  	(tm) =	ssettm $0x1  }
0x91: {  	s17 =	sld [smem:$0x3FFB];
	_ =	sdelay $0x3  }
0x92: {  	_ =	strace s17  }
0x93: {  	s2 =	sld [smem:$0x3FFC];
	_ =	sdelay $0x3  }
0x94: {  	_ =	strace s2  }
0x95: {  	s2 =	sld [smem:$0x3FFD];
	_ =	sdelay $0x3  }
0x96: {  	_ =	strace s2  }
0x97: {  	_ =	strace $0x8FFFFFFF  }
0x98: {  	s18 =	sld [smem:$0x3FDB];
	_ =	sdelay $0x1  }
0x99: {  	s19 =	simm.s32 $_scs_section_size  }
0x9a: {  	s4 =	simm.s32 $_size__tile_overlayer_lowered;
	s5 =	simm.s32 $_tile_overlayer_lowered  }
0x9b: {  	s22 =	simm.s32 $0x1BFF;
	s21 =	sshll.u32 s5, $0x1;
	s2 =	sadd.s32 s19, s18  }
0x9c: {  	s6 =	simm.s32 $0x0;
	s20 =	sshll.u32 s4, $0x1;
	s4 =	sadd.s32 s21, s2  }
0x9d: {  	[timem:s6], [sflag:s22] =	dma.local [hbm:s4], s20  }
0x9e: {  	_ =	swait.ge [sflag:s22], s20  }
0x9f: {  	s3 =	ssub.s32 $0x0, s20;
	[sflag:s22] =	ssyncset.done $0x0  }
0xa0: {  	[sflag:s22] =	ssyncadd.s32 s3;
	_ =	sdelay $0x1  }
0xa1: {  	s23 =	simm.s32 $0x1B8B  }
0xa2: {  	_ =	swait.ge [sflag:s23], $0x1  }
0xa3: {  	[sflag:s23] =	ssyncset.done $0x0  }
0xa4: {  	s25 =	simm.s32 $0x1B8E;
	s24 =	sld [smem:$0x3FFE];
	[sflag:s23] =	ssyncadd.s32 $0xFFFFFFFF  }
0xa5: {  	s26 =	simm.s32 $execute0_lowered;
	[smem:$0x3FD2] =	sst s25  }
0xa6: {  	s4 =	sshll.u32 s26, $0x1;
	_ =	strace $0x80000046;
	[dreg:$0x1] =	wrdreg $0xFFFFFFFF  }
0xa7: {  	s28 =	simm.s32 $_size_execute0_lowered;
	s2 =	sadd.s32 s2, s4;
	[dreg:$0x0] =	wrdreg $0x0  }
0xa8: {  	s4 =	sshll.u32 s28, $0x1;
	[dreg:$0x2] =	wrdreg s2  }
0xa9: {  	[dreg:$0x3] =	wrdreg s4  }
0xaa: {  	[dreg:$0x4] =	wrdreg $0xC0  }
0xab: {  	_ =	task [dreg:s6], $0x5FFFF  }
0xac: {  	[dreg:$0x1] =	wrdreg $0xFFFFFFFF  }
0xad: {  	[dreg:$0x0] =	wrdreg $0x60  }
0xae: {  	[dreg:$0x2] =	wrdreg s24  }
0xaf: {  	[dreg:$0x3] =	wrdreg $0x9  }
0xb0: {  	_ =	task.clear_ibuf [dreg:s6], $0x4FFFF;
	_ =	strace $0x90000046  }
0xb1: {  	s29 =	simm.s32 $0x9;
	_ =	strace $0x80000048  }
0xb2: {  	_ =	swait.ge [sflag:s29], $0x1  }
0xb3: {  	[sflag:s29] =	ssyncadd.s32 $0xFFFFFFFF  }
0xb4: {  	_ =	strace $0x90000048  }
0xb5: {  	_ =	sfence  }
0xb6: {  	s30 =	sld [smem:$0x0];
	_ =	sdelay $0x2  }
0xb7: {  	s31 =	sshll.u32 s1, $0xD;
	s1 =	sshrl.u32 s1, $0x2  }
0xb8: {  	s3 =	sand.u32 $0x4000, s31;
	s1 =	sadd.s32 s1, s30  }
0xb9: {  	s0 =	sor.u32 s3, s0;
	s1 =	sshll.u32 s1, $0x11  }
0xba: {  	s0 =	sor.u32 s1, s0  }
0xbb: {  	s0 =	sadd.s32 $0x8F2B, s0  }
0xbc: {  	[sflag:s0] =	ssyncadd.remote.s32 $0x1  }
0xbd: {  	_ =	sfence.sel $0xFFFF  }
0xbe: {  	[dreg:$0x0] =	wrdreg $0xFFFFFFFF;
	(pc) =	sbr.abs _section_cstart, $3  }
0xbf: {  	[dreg:$0x1] =	wrdreg $0xFFFFFFFF  }
0xc0: {  	_ =	task.clear_ibuf [dreg:s6], $0x2FFFF;
	_ =	strace $0x9FFFFFFF  }
0xc1: {  	(tm) =	ssettm $0x7FFFFFFF  }
tec
execute0_lowered:
.L_overlay_start_1:
0x0: {  	(tag) =	ssettag $0x1  }
0x1: {  	s1 =	srdreg.scid;
	s0 =	stileid.u32  }
0x2: {  	s4 =	rddreg [dreg:$0x0];
	s2 =	simm.s32 $0x0;
	s9 =	simm.s32 $0x1400  }
0x3: {  	s10 =	simm.s32 $0x80;
	s11 =	simm.s32 $0x2800;
	s12 =	simm.s32 $0x3000  }
0x4: {  	s13 =	simm.s32 $0x1;
	s14 =	simm.s32 $0x2;
	s15 =	simm.s32 $0x2780  }
0x5: {  	s16 =	simm.s32 $0x0;
	s3 =	sand.u32 $0x1, s1;
	s5 =	sshll.u32 s0, $0x1  }
0x6: {  	s1 =	rddreg [dreg:$0x1];
	s5 =	sor.u32 s3, s5;
	s6 =	ssub.s32 $0x2, s3  }
0x7: {  	[smem:$0x7FF] =	sst s2;
	s5 =	smul.u32 $0x280, s5;
	s7 =	sshrl.u32 s6, $0x1  }
0x8: {  	_ =	strace $0x80000047;
	s3 =	sadd.s32 $0x4A00, s4;
	s7 =	ssub.s32 s6, s7  }
0x9: {  	s8 =	sadd.s32 s5, s4;
	s4 =	sadd.s32 $0x1FEA00, s4;
	s7 =	smax.u32 s7, $0x1  }
0xa: {  	s5 =	sadd.s32 $0x1F4A00, s8;
	s6 =	sadd.s32 $0x1F9A00, s8;
	s8 =	simm.s32 $0x3  }
.LBB2_1:
0xb: {  	[tilespmem:s2], [sflag:$0x3] =	stream.linear.gather [hbm4b:s5+s2], $0x1400, $0x38;
	[tilespmem:$0x3800] =	vst v63  }
0xc: {  	_ =	swait.ge [sflag:s8], $0x1400  }
0xd: {  	[sflag:s8] =	ssyncset.done $0x0  }
0xe: {  	[sflag:s8] =	ssyncadd.s32 $0xFFFFEC00  }
0xf: {  	[tilespmem:s9], [sflag:$0x3] =	stream.linear.gather [hbm4b:s6+s2], $0x1400, $0x38;
	[tilespmem:$0x3800] =	vst v63  }
0x10: {  	_ =	swait.ge [sflag:s8], $0x1400  }
0x11: {  	[sflag:s8] =	ssyncset.done $0x0  }
0x12: {  	[sflag:s8] =	ssyncadd.s32 $0xFFFFEC00  }
0x13: {  	[tilespmem:s11], [sflag:$0x1] =	stream.indirect.gather [hbm4b:s3+s10], $0x10, s2, s10, $0xb8;
	[tilespmem:$0x3800] =	vst v63  }
0x14: {  	_ = 	snop  }
0x15: {  	[tilespmem:s12], [sflag:$0x1] =	stream.indirect.gather [hbm4b:s3+s10], $0x10, s10, s10, $0xb8;
	[tilespmem:$0x3800] =	vst v63  }
0x16: {  	_ =	swait.ge [sflag:s13], $0x800  }
0x17: {  	[sflag:s13] =	ssyncset.done $0x0  }
0x18: {  	s18 =	simm.s32 $0x4000;
	[sflag:s13] =	ssyncadd.s32 $0xFFFFF800  }
0x19: {  	[hbm4b:s4+s10] =	stream.indirect.scatter [tilespmem:s11], [sflag:$0x2], $0x10, s9, s10, $0xb8;
	[tilespmem:$0x3800] =	vst v63  }
0x1a: {  	s19 =	simm.s32 $0x100;
	s18 =	sand.u32 $0x2000, s18;
	_ =	swait.ge [sflag:s14], $0x800  }
0x1b: {  	s20 =	simm.s32 $0x2000;
	s18 =	sshrl.u32 s18, $0x2;
	[sflag:s14] =	ssyncset.done $0x0  }
0x1c: {  	s31 =	sand.u32 $0x2000, s20;
	s18 =	sadd.s32 $0x2800, s18;
	[sflag:s14] =	ssyncadd.s32 $0xFFFFF800  }
0x1d: {  	[tilespmem:s18], [sflag:$0x1] =	stream.indirect.gather [hbm4b:s3+s10], $0x10, s19, s10, $0xb8;
	[tilespmem:$0x3800] =	vst v63  }
0x1e: {  	s17 =	simm.s32 $0x1480;
	s20 =	sshrl.u32 s31, $0x2;
	_ =	swait.ge [sflag:s13], $0x800  }
0x1f: {  	s21 =	sadd.s32 $0x2800, s20;
	s20 =	simm.s32 $0x1500;
	[sflag:s13] =	ssyncset.done $0x0  }
0x20: {  	s18 =	simm.s32 $0x6000;
	s19 =	simm.s32 $0x180;
	[sflag:s13] =	ssyncadd.s32 $0xFFFFF800  }
.LBB2_2:
0x21: {  	[hbm4b:s4+s10] =	stream.indirect.scatter [tilespmem:s21], [sflag:$0x2], $0x10, s17, s10, $0xb8;
	[tilespmem:$0x3800] =	vst v63  }
0x22: {  	s17 =	smov.u32 s20  }
0x23: {  	s21 =	sand.u32 $0x2000, s18;
	p0 =	sne.s32 s18, $0x4E000;
	_ =	swait.ge [sflag:s14], $0x800  }
0x24: {  	s22 =	sadd.s32 $0xFFFFE000, s18;
	s21 =	sshrl.u32 s21, $0x2;
	[sflag:s14] =	ssyncset.done $0x0  }
.Ltmp0:
0x25: {  	s21 =	sadd.s32 $0x2800, s21;
	[sflag:s14] =	ssyncadd.s32 $0xFFFFF800;
	(pc) =	sbr.rel @p0 .LBB2_2-.Ltmp0, $4  }
0x26: {  	[tilespmem:s21], [sflag:$0x1] =	stream.indirect.gather [hbm4b:s3+s10], $0x10, s19, s10, $0xb8;
	[tilespmem:$0x3800] =	vst v63  }
0x27: {  	s18 =	sadd.s32 $0x2000, s18;
	s21 =	sand.u32 $0x2000, s22;
	_ =	swait.ge [sflag:s13], $0x800  }
0x28: {  	s19 =	sadd.s32 $0x80, s19;
	s21 =	sshrl.u32 s21, $0x2;
	[sflag:s13] =	ssyncset.done $0x0  }
0x29: {  	s20 =	sadd.s32 $0x80, s20;
	s21 =	sadd.s32 $0x2800, s21;
	[sflag:s13] =	ssyncadd.s32 $0xFFFFF800  }
0x2a: {  	[hbm4b:s4+s10] =	stream.indirect.scatter [tilespmem:s21], [sflag:$0x2], $0x10, s17, s10, $0xb8;
	[tilespmem:$0x3800] =	vst v63  }
0x2b: {  	_ =	swait.ge [sflag:s14], $0x800  }
0x2c: {  	[sflag:s14] =	ssyncset.done $0x0  }
0x2d: {  	[sflag:s14] =	ssyncadd.s32 $0xFFFFF800  }
0x2e: {  	s16 =	sadd.s32 $0x1, s16;
	_ =	swait.ge [sflag:s13], $0x800  }
0x2f: {  	p0 =	sne.s32 s16, s7;
	[sflag:s13] =	ssyncset.done $0x0  }
.Ltmp1:
0x30: {  	[sflag:s13] =	ssyncadd.s32 $0xFFFFF800;
	(pc) =	sbr.rel @p0 .LBB2_1-.Ltmp1, $4  }
0x31: {  	[hbm4b:s4+s10] =	stream.indirect.scatter [tilespmem:s12], [sflag:$0x2], $0x10, s15, s10, $0xb8;
	[tilespmem:$0x3800] =	vst v63  }
0x32: {  	_ =	swait.ge [sflag:s14], $0x800  }
0x33: {  	[sflag:s14] =	ssyncset.done $0x0  }
0x34: {  	[sflag:s14] =	ssyncadd.s32 $0xFFFFF800  }
0x35: {  	_ =	sfence.sel $0x180000  }
0x36: {  	[bflag:$0x0] =	sbarrier.arrive $0xFFFF  }
0x37: {  	p0 =	sne.s32 s0, $0x0;
	_ =	strace $0x90000047  }
0x38: {  	s0 =	sadd.s32 @!p0 $0x100000, s1;
	[bflag:$0x2] =	sbarrier.arrive $0xFFFF  }
0x39: {  	[sflag:s0] =	ssyncadd.tile.s32 @!p0 $0x1;
	_ =	shalt  }
.Lfunc_end2:
_tile_overlayer_lowered:
.L_overlay_start_2:
0x3a: {  	(tag) =	ssettag $0x2  }
0x3b: {  	s0 =	rddreg [dreg:$0x0];
	s2 =	stileid.u32  }
0x3c: {  	s1 =	rddreg [dreg:$0x1];
	p0 =	sne.s32 s2, $0x0  }
0x3d: {  	s3 =	rddreg [dreg:$0x2];
	[bflag:$0x3] =	sbarrier.arrive $0xFFFF;
	s2 =	simm.s32 @!p0 $0x1C03  }
0x3e: {  	[timem:s3], [sflag:s2] =	dma.local @!p0 [hbm:s0], s1  }
0x3f: {  	s0 =	simm.s32 @!p0 $0x3  }
0x40: {  	_ =	swait.ge @!p0 [sflag:s0], s1  }
0x41: {  	s1 =	ssub.s32 @!p0 $0x0, s1;
	[sflag:s0] =	ssyncset.done @!p0 $0x0  }
0x42: {  	[sflag:s0] =	ssyncadd.s32 @!p0 s1  }
0x43: {  	[bflag:$0x3] =	sbarrier.arrive $0xFFFF  }
0x44: {  	_ =	shalt  }

// kernel: kernel.14.cloned.1.call-start
scs
__scs_entry_jumppad:
0x0: {  	(pc) =	sbr.rel $0x88, $3  }
0x1: {  	(tag) =	ssettag $0x0;
	lr =	simm.s32 $0x1  }
0x2: {  	[smem:$0x3F90] =	sst lr;
	_ =	strace $0xD0000000  }
0x3: {  	_ = 	snop  }
0x4: {  	_ = 	snop  }
0x5: {  	_ = 	snop  }
0x6: {  	_ = 	snop  }
0x7: {  	_ = 	snop  }
__scs_overlays_trampoline_lowered:
0x8: {  	[smem:$0x3F9F] =	sst s0  }
0x9: {  	[smem:$0x3FA0] =	sst s1  }
0xa: {  	[smem:$0x3FA1] =	sst s2  }
0xb: {  	[smem:$0x3FA2] =	sst s3  }
0xc: {  	[smem:$0x3FA3] =	sst s4  }
0xd: {  	[smem:$0x3FA4] =	sst s5  }
0xe: {  	[smem:$0x3FA5] =	sst s6  }
0xf: {  	[smem:$0x3FA6] =	sst s7  }
0x10: {  	[smem:$0x3FA7] =	sst s8  }
0x11: {  	[smem:$0x3FA8] =	sst s9;
	s0 =	simm.s32 @!p0 $0x0  }
0x12: {  	s1 =	sld [smem:$0x3F8E];
	s0 =	simm.s32 @p0 $0x1  }
0x13: {  	[smem:$0x3FA9] =	sst s0;
	s0 =	simm.s32 @!p1 $0x0  }
0x14: {  	s2 =	sld [smem:$0x3F8D];
	s0 =	simm.s32 @p1 $0x1  }
0x15: {  	[smem:$0x3FAA] =	sst s0;
	s0 =	simm.s32 @!p2 $0x0  }
0x16: {  	s3 =	sld [smem:$0x3FDB];
	s0 =	simm.s32 @p2 $0x1  }
0x17: {  	s4 =	simm.s32 $0x1BF5;
	[smem:$0x3FAC] =	sst s0  }
0x18: {  	s0 =	sld [smem:$0x3F8F];
	_ =	swait.ge [sflag:s4], $0x0  }
0x19: {  	s7 =	sld [smem:$0x3F90]  }
0x1a: {  	s8 =	sadd.s32 $0xFFFFE003, lr  }
0x1b: {  	s9 =	sadd.s32 $0xFFFFFEF7, lr;
	s5 =	simm.s32 $0xFFFFFFFF;
	p2 =	slt.u32 s8, $0xFFFFF086  }
0x1c: {  	p1 =	slt.u32 s9, $0xF7A;
	s5 =	simm.s32 @!p2 $0x0  }
0x1d: {  	s5 =	simm.s32 @p1 $0x1;
	p0 =	seq.s32 s7, s2  }
0x1e: {  	s7 =	smul.u32 @!p0 $0xF7A, s2;
	p2 =	seq.s32 @!p0 s5, $0x0  }
0x1f: {  	s9 =	smul.u32 $0xF7A, s1;
	s8 =	simm.s32 @!p0 $0x1BF5;
	p2 =	por !p2, p0  }
0x20: {  	[sflag:s8] =	ssyncset.s32 @!p0 $0xFFFFF086;
	s6 =	sadd.s32 @!p0 s3, s7;
	s7 =	simm.s32 @!p0 $0x108  }
0x21: {  	s3 =	sadd.s32 s3, s9;
	s6 =	sadd.s32 @!p0 $0x88, s6;
	s7 =	simm.s32 @p2 $0x1082  }
0x22: {  	[simem:s7], [sflag:s8] =	dma.local @!p0 [hbm:s6], $0xF7A  }
0x23: {  	s9 =	sor.u32 $0xD0000000, s2;
	s6 =	simm.s32 $0x108;
	_ =	swait.ge @!p0 [sflag:s8], $0x0  }
0x24: {  	s3 =	sadd.s32 $0x88, s3;
	s6 =	simm.s32 @!p1 $0x1082;
	[sflag:s4] =	ssyncset.s32 $0xFFFFF086  }
0x25: {  	[simem:s6], [sflag:s4] =	dma.local [hbm:s3], $0xF7A  }
0x26: {  	[smem:$0x3F90] =	sst s1;
	(tag) =	ssettag s2;
	_ =	strace s9  }
0x27: {  	s1 =	sld [smem:$0x3FA0]  }
0x28: {  	s2 =	sld [smem:$0x3FA1]  }
0x29: {  	s4 =	sld [smem:$0x3FA3]  }
0x2a: {  	p0 =	seq.s32 s5, $0x0;
	s5 =	sld [smem:$0x3FA4]  }
0x2b: {  	s6 =	sld [smem:$0x3FA5]  }
0x2c: {  	s7 =	sld [smem:$0x3FA6]  }
0x2d: {  	s3 =	simm.s32 $0x108;
	s8 =	sld [smem:$0x3FA7]  }
0x2e: {  	s3 =	simm.s32 @!p0 $0x1082;
	s9 =	sld [smem:$0x3FA8]  }
0x2f: {  	lr =	sadd.s32 s0, s3;
	s0 =	sld [smem:$0x3F9F]  }
0x30: {  	s3 =	sld [smem:$0x3FA2]  }
0x31: {  	[smem:$0x3FAB] =	sst s10  }
0x32: {  	s10 =	sld [smem:$0x3FA9];
	_ =	sdelay $0x3  }
0x33: {  	p0 =	seq.s32 s10, $0x1;
	s10 =	sld [smem:$0x3FAB];
	_ =	sdelay $0x3  }
0x34: {  	[smem:$0x3FAB] =	sst s10  }
0x35: {  	s10 =	sld [smem:$0x3FAA];
	_ =	sdelay $0x3  }
0x36: {  	p1 =	seq.s32 s10, $0x1;
	s10 =	sld [smem:$0x3FAB];
	_ =	sdelay $0x3  }
0x37: {  	[smem:$0x3FAB] =	sst s10  }
0x38: {  	s10 =	sld [smem:$0x3FAC]  }
0x39: {  	_ = 	snop;
	(pc) =	sbr.ind lr, $3  }
0x3a: {  	_ = 	snop  }
0x3b: {  	_ = 	snop  }
0x3c: {  	p2 =	seq.s32 s10, $0x1;
	s10 =	sld [smem:$0x3FAB]  }
0x3d: {  	_ =	shalt  }
0x3e: {  	_ =	shalt  }
0x3f: {  	_ =	shalt  }
0x40: {  	_ =	shalt  }
0x41: {  	_ =	shalt  }
0x42: {  	_ =	shalt  }
0x43: {  	_ =	shalt  }
0x44: {  	_ =	shalt  }
0x45: {  	_ =	shalt  }
0x46: {  	_ =	shalt  }
0x47: {  	_ =	shalt  }
0x48: {  	_ =	shalt  }
0x49: {  	_ =	shalt  }
0x4a: {  	_ =	shalt  }
0x4b: {  	_ =	shalt  }
0x4c: {  	_ =	shalt  }
0x4d: {  	_ =	shalt  }
0x4e: {  	_ =	shalt  }
0x4f: {  	_ =	shalt  }
0x50: {  	_ =	shalt  }
0x51: {  	_ =	shalt  }
0x52: {  	_ =	shalt  }
0x53: {  	_ =	shalt  }
0x54: {  	_ =	shalt  }
0x55: {  	_ =	shalt  }
0x56: {  	_ =	shalt  }
0x57: {  	_ =	shalt  }
0x58: {  	_ =	shalt  }
0x59: {  	_ =	shalt  }
0x5a: {  	_ =	shalt  }
0x5b: {  	_ =	shalt  }
0x5c: {  	_ =	shalt  }
0x5d: {  	_ =	shalt  }
0x5e: {  	_ =	shalt  }
0x5f: {  	_ =	shalt  }
0x60: {  	_ =	shalt  }
0x61: {  	_ =	shalt  }
0x62: {  	_ =	shalt  }
0x63: {  	_ =	shalt  }
0x64: {  	_ =	shalt  }
0x65: {  	_ =	shalt  }
0x66: {  	_ =	shalt  }
0x67: {  	_ =	shalt  }
0x68: {  	_ =	shalt  }
0x69: {  	_ =	shalt  }
0x6a: {  	_ =	shalt  }
0x6b: {  	_ =	shalt  }
0x6c: {  	_ =	shalt  }
0x6d: {  	_ =	shalt  }
0x6e: {  	_ =	shalt  }
0x6f: {  	_ =	shalt  }
0x70: {  	_ =	shalt  }
0x71: {  	_ =	shalt  }
0x72: {  	_ =	shalt  }
0x73: {  	_ =	shalt  }
0x74: {  	_ =	shalt  }
0x75: {  	_ =	shalt  }
0x76: {  	_ =	shalt  }
0x77: {  	_ =	shalt  }
0x78: {  	_ =	shalt  }
0x79: {  	_ =	shalt  }
0x7a: {  	_ =	shalt  }
0x7b: {  	_ =	shalt  }
0x7c: {  	_ =	shalt  }
0x7d: {  	_ =	shalt  }
0x7e: {  	_ =	shalt  }
0x7f: {  	_ =	shalt  }
0x80: {  	_ =	shalt  }
0x81: {  	_ =	shalt  }
0x82: {  	_ =	shalt  }
0x83: {  	_ =	shalt  }
0x84: {  	_ =	shalt  }
0x85: {  	_ =	shalt  }
0x86: {  	_ =	shalt  }
0x87: {  	_ =	shalt  }
.Lfunc_end0:
.L_simem_size_0:
called_computation.1_lowered:
.L_overlay_start_0:
0x88: {  	s2 =	sld [smem:$0x3FD9]  }
0x89: {  	s3 =	sld [smem:$0x3FFE];
	_ =	sdelay $0x1  }
0x8a: {  	s1 =	srdreg.scid  }
0x8b: {  	s0 =	sand.u32 $0x1, s1  }
0x8c: {  	s17 =	sshll.u32 s0, $0xA;
	s2 =	sadd.s32 s3, s2  }
0x8d: {  	s2 =	sadd.s32 s2, s17  }
0x8e: {  	[smem:$0x3FB7] =	sst s2  }
0x8f: {  	_ = 	snop  }
0x90: {  	(tm) =	ssettm $0x1  }
0x91: {  	s18 =	sld [smem:$0x3FFB];
	_ =	sdelay $0x3  }
0x92: {  	_ =	strace s18  }
0x93: {  	s2 =	sld [smem:$0x3FFC];
	_ =	sdelay $0x3  }
0x94: {  	_ =	strace s2  }
0x95: {  	s2 =	sld [smem:$0x3FFD];
	_ =	sdelay $0x3  }
0x96: {  	_ =	strace s2  }
0x97: {  	_ =	strace $0x8FFFFFFF  }
0x98: {  	s19 =	sld [smem:$0x3FDB];
	_ =	sdelay $0x1  }
0x99: {  	s20 =	simm.s32 $_scs_section_size  }
0x9a: {  	s4 =	simm.s32 $_size__tile_overlayer_lowered;
	s5 =	simm.s32 $_tile_overlayer_lowered  }
0x9b: {  	s6 =	simm.s32 $0x1BFF;
	s21 =	sshll.u32 s5, $0x1;
	s3 =	sadd.s32 s20, s19  }
0x9c: {  	s22 =	simm.s32 $0x0;
	s4 =	sshll.u32 s4, $0x1;
	s5 =	sadd.s32 s21, s3  }
0x9d: {  	[timem:s22], [sflag:s6] =	dma.local [hbm:s5], s4  }
0x9e: {  	_ =	swait.ge [sflag:s6], s4  }
0x9f: {  	s4 =	ssub.s32 $0x0, s4;
	[sflag:s6] =	ssyncset.done $0x0  }
0xa0: {  	[sflag:s6] =	ssyncadd.s32 s4;
	_ =	sdelay $0x1  }
0xa1: {  	s23 =	simm.s32 $0x1B8B  }
0xa2: {  	_ =	swait.ge [sflag:s23], $0x1  }
0xa3: {  	[sflag:s23] =	ssyncset.done $0x0  }
0xa4: {  	[sflag:s23] =	ssyncadd.s32 $0xFFFFFFFF  }
0xa5: {  	s4 =	sld [smem:$0x0]  }
0xa6: {  	s5 =	sand.u32 $0xFFFFFFFE, s1  }
0xa7: {  	p0 =	sne.s32 s1, s5  }
0xa8: {  	s5 =	sshll.u32 @p0 s5, $0xE  }
0xa9: {  	s5 =	sadd.s32 @p0 $0x11B8D, s5;
	s6 =	sshll.u32 @p0 s4, $0x11  }
0xaa: {  	s5 =	sor.u32 @p0 s6, s5  }
0xab: {  	[sflag:s5] =	ssyncadd.remote.s32 @p0 $0x1;
	_ =	sdelay $0x1  }
0xac: {  	s5 =	simm.s32 @p0 $0x1B8D  }
0xad: {  	_ =	swait.eq @p0 [sflag:s5], $0x1  }
0xae: {  	[sflag:s5] =	ssyncadd.s32 @p0 $0xFFFFFFFF  }
0xaf: {  	s6 =	sshll.u32 @!p0 s1, $0xE  }
0xb0: {  	s6 =	sor.u32 @!p0 $0x4000, s6;
	s5 =	simm.s32 @!p0 $0x1B8D  }
0xb1: {  	s4 =	sshll.u32 @!p0 s4, $0x11;
	s6 =	sadd.s32 @!p0 $0x11B8D, s6;
	_ =	swait.eq @!p0 [sflag:s5], $0x1  }
0xb2: {  	s4 =	sor.u32 @!p0 s4, s6;
	[sflag:s5] =	ssyncadd.s32 @!p0 $0xFFFFFFFF  }
0xb3: {  	s25 =	simm.s32 $0x1B8E;
	s24 =	sld [smem:$0x3FFE];
	[sflag:s4] =	ssyncadd.remote.s32 @!p0 $0x1  }
0xb4: {  	s26 =	simm.s32 $execute0_lowered;
	[smem:$0x3FD2] =	sst s25  }
0xb5: {  	s5 =	sshll.u32 s26, $0x1;
	_ =	strace $0x80000049;
	[dreg:$0x1] =	wrdreg $0xFFFFFFFF  }
0xb6: {  	s28 =	simm.s32 $_size_execute0_lowered;
	s3 =	sadd.s32 s3, s5;
	[dreg:$0x0] =	wrdreg $0x0  }
0xb7: {  	s5 =	sshll.u32 s28, $0x1;
	[dreg:$0x2] =	wrdreg s3  }
0xb8: {  	[dreg:$0x3] =	wrdreg s5  }
0xb9: {  	[dreg:$0x4] =	wrdreg $0xC0  }
0xba: {  	_ =	task [dreg:s22], $0x5FFFF  }
0xbb: {  	[dreg:$0x1] =	wrdreg $0xFFFFFFFF  }
0xbc: {  	[dreg:$0x0] =	wrdreg $0x60  }
0xbd: {  	[dreg:$0x2] =	wrdreg s24  }
0xbe: {  	[dreg:$0x3] =	wrdreg $0xA  }
0xbf: {  	_ =	task.clear_ibuf [dreg:s22], $0x4FFFF;
	_ =	strace $0x90000049  }
0xc0: {  	s29 =	simm.s32 $0xA;
	_ =	strace $0x8000004B  }
0xc1: {  	_ =	swait.ge [sflag:s29], $0x1  }
0xc2: {  	[sflag:s29] =	ssyncadd.s32 $0xFFFFFFFF  }
0xc3: {  	_ =	strace $0x9000004B  }
0xc4: {  	_ =	sfence  }
0xc5: {  	s30 =	sld [smem:$0x0];
	_ =	sdelay $0x2  }
0xc6: {  	s31 =	sshll.u32 s1, $0xD;
	s1 =	sshrl.u32 s1, $0x2  }
0xc7: {  	s4 =	sand.u32 $0x4000, s31;
	s1 =	sadd.s32 s1, s30  }
0xc8: {  	s0 =	sor.u32 s4, s0;
	s1 =	sshll.u32 s1, $0x11  }
0xc9: {  	s0 =	sor.u32 s1, s0  }
0xca: {  	s0 =	sadd.s32 $0x8F2B, s0  }
0xcb: {  	[sflag:s0] =	ssyncadd.remote.s32 $0x1  }
0xcc: {  	_ =	sfence.sel $0xFFFF  }
0xcd: {  	[dreg:$0x0] =	wrdreg $0xFFFFFFFF;
	(pc) =	sbr.abs _section_cstart, $3  }
0xce: {  	[dreg:$0x1] =	wrdreg $0xFFFFFFFF  }
0xcf: {  	_ =	task.clear_ibuf [dreg:s22], $0x2FFFF;
	_ =	strace $0x9FFFFFFF  }
0xd0: {  	(tm) =	ssettm $0x7FFFFFFF  }
0xd1: {  	_ =	shalt  }
tec
execute0_lowered:
.L_overlay_start_1:
0x0: {  	(tag) =	ssettag $0x1  }
0x1: {  	s1 =	srdreg.scid;
	s0 =	stileid.u32  }
0x2: {  	s4 =	rddreg [dreg:$0x0];
	s2 =	simm.s32 $0x0;
	s9 =	simm.s32 $0xC00  }
0x3: {  	s10 =	simm.s32 $0x80;
	s11 =	simm.s32 $0x1800;
	s12 =	simm.s32 $0x2000  }
0x4: {  	s13 =	simm.s32 $0x1;
	s14 =	simm.s32 $0x2;
	s15 =	simm.s32 $0x1780  }
0x5: {  	s16 =	simm.s32 $0x0;
	s3 =	sand.u32 $0x1, s1;
	s5 =	sshll.u32 s0, $0x1  }
0x6: {  	s1 =	rddreg [dreg:$0x1];
	s5 =	sor.u32 s3, s5;
	s6 =	ssub.s32 $0x2, s3  }
0x7: {  	[smem:$0x7FF] =	sst s2;
	s5 =	smul.u32 $0x180, s5;
	s7 =	sshrl.u32 s6, $0x1  }
0x8: {  	_ =	strace $0x8000004A;
	s3 =	sadd.s32 $0x27EA00, s4;
	s7 =	ssub.s32 s6, s7  }
0x9: {  	s8 =	sadd.s32 s5, s4;
	s4 =	sadd.s32 $0x3ACA00, s4;
	s7 =	smax.u32 s7, $0x1  }
0xa: {  	s5 =	sadd.s32 $0x3A6A00, s8;
	s6 =	sadd.s32 $0x3A9A00, s8;
	s8 =	simm.s32 $0x3  }
.LBB2_1:
0xb: {  	[tilespmem:s2], [sflag:$0x3] =	stream.linear.gather [hbm4b:s5+s2], $0xC00, $0x38;
	[tilespmem:$0x2800] =	vst v63  }
0xc: {  	_ =	swait.ge [sflag:s8], $0xC00  }
0xd: {  	[sflag:s8] =	ssyncset.done $0x0  }
0xe: {  	[sflag:s8] =	ssyncadd.s32 $0xFFFFF400  }
0xf: {  	[tilespmem:s9], [sflag:$0x3] =	stream.linear.gather [hbm4b:s6+s2], $0xC00, $0x38;
	[tilespmem:$0x2800] =	vst v63  }
0x10: {  	_ =	swait.ge [sflag:s8], $0xC00  }
0x11: {  	[sflag:s8] =	ssyncset.done $0x0  }
0x12: {  	[sflag:s8] =	ssyncadd.s32 $0xFFFFF400  }
0x13: {  	[tilespmem:s11], [sflag:$0x1] =	stream.indirect.gather [hbm4b:s3+s10], $0x10, s2, s10, $0xb8;
	[tilespmem:$0x2800] =	vst v63  }
0x14: {  	_ = 	snop  }
0x15: {  	[tilespmem:s12], [sflag:$0x1] =	stream.indirect.gather [hbm4b:s3+s10], $0x10, s10, s10, $0xb8;
	[tilespmem:$0x2800] =	vst v63  }
0x16: {  	_ =	swait.ge [sflag:s13], $0x800  }
0x17: {  	[sflag:s13] =	ssyncset.done $0x0  }
0x18: {  	s18 =	simm.s32 $0x4000;
	[sflag:s13] =	ssyncadd.s32 $0xFFFFF800  }
0x19: {  	[hbm4b:s4+s10] =	stream.indirect.scatter [tilespmem:s11], [sflag:$0x2], $0x10, s9, s10, $0xb8;
	[tilespmem:$0x2800] =	vst v63  }
0x1a: {  	s19 =	simm.s32 $0x100;
	s18 =	sand.u32 $0x2000, s18;
	_ =	swait.ge [sflag:s14], $0x800  }
0x1b: {  	s20 =	simm.s32 $0x2000;
	s18 =	sshrl.u32 s18, $0x2;
	[sflag:s14] =	ssyncset.done $0x0  }
0x1c: {  	s31 =	sand.u32 $0x2000, s20;
	s18 =	sadd.s32 $0x1800, s18;
	[sflag:s14] =	ssyncadd.s32 $0xFFFFF800  }
0x1d: {  	[tilespmem:s18], [sflag:$0x1] =	stream.indirect.gather [hbm4b:s3+s10], $0x10, s19, s10, $0xb8;
	[tilespmem:$0x2800] =	vst v63  }
0x1e: {  	s17 =	simm.s32 $0xC80;
	s20 =	sshrl.u32 s31, $0x2;
	_ =	swait.ge [sflag:s13], $0x800  }
0x1f: {  	s21 =	sadd.s32 $0x1800, s20;
	s20 =	simm.s32 $0xD00;
	[sflag:s13] =	ssyncset.done $0x0  }
0x20: {  	s18 =	simm.s32 $0x6000;
	s19 =	simm.s32 $0x180;
	[sflag:s13] =	ssyncadd.s32 $0xFFFFF800  }
.LBB2_2:
0x21: {  	[hbm4b:s4+s10] =	stream.indirect.scatter [tilespmem:s21], [sflag:$0x2], $0x10, s17, s10, $0xb8;
	[tilespmem:$0x2800] =	vst v63  }
0x22: {  	s17 =	smov.u32 s20  }
0x23: {  	s21 =	sand.u32 $0x2000, s18;
	p0 =	sne.s32 s18, $0x2E000;
	_ =	swait.ge [sflag:s14], $0x800  }
0x24: {  	s22 =	sadd.s32 $0xFFFFE000, s18;
	s21 =	sshrl.u32 s21, $0x2;
	[sflag:s14] =	ssyncset.done $0x0  }
.Ltmp0:
0x25: {  	s21 =	sadd.s32 $0x1800, s21;
	[sflag:s14] =	ssyncadd.s32 $0xFFFFF800;
	(pc) =	sbr.rel @p0 .LBB2_2-.Ltmp0, $4  }
0x26: {  	[tilespmem:s21], [sflag:$0x1] =	stream.indirect.gather [hbm4b:s3+s10], $0x10, s19, s10, $0xb8;
	[tilespmem:$0x2800] =	vst v63  }
0x27: {  	s18 =	sadd.s32 $0x2000, s18;
	s21 =	sand.u32 $0x2000, s22;
	_ =	swait.ge [sflag:s13], $0x800  }
0x28: {  	s19 =	sadd.s32 $0x80, s19;
	s21 =	sshrl.u32 s21, $0x2;
	[sflag:s13] =	ssyncset.done $0x0  }
0x29: {  	s20 =	sadd.s32 $0x80, s20;
	s21 =	sadd.s32 $0x1800, s21;
	[sflag:s13] =	ssyncadd.s32 $0xFFFFF800  }
0x2a: {  	[hbm4b:s4+s10] =	stream.indirect.scatter [tilespmem:s21], [sflag:$0x2], $0x10, s17, s10, $0xb8;
	[tilespmem:$0x2800] =	vst v63  }
0x2b: {  	_ =	swait.ge [sflag:s14], $0x800  }
0x2c: {  	[sflag:s14] =	ssyncset.done $0x0  }
0x2d: {  	[sflag:s14] =	ssyncadd.s32 $0xFFFFF800  }
0x2e: {  	s16 =	sadd.s32 $0x1, s16;
	_ =	swait.ge [sflag:s13], $0x800  }
0x2f: {  	p0 =	sne.s32 s16, s7;
	[sflag:s13] =	ssyncset.done $0x0  }
.Ltmp1:
0x30: {  	[sflag:s13] =	ssyncadd.s32 $0xFFFFF800;
	(pc) =	sbr.rel @p0 .LBB2_1-.Ltmp1, $4  }
0x31: {  	[hbm4b:s4+s10] =	stream.indirect.scatter [tilespmem:s12], [sflag:$0x2], $0x10, s15, s10, $0xb8;
	[tilespmem:$0x2800] =	vst v63  }
0x32: {  	_ =	swait.ge [sflag:s14], $0x800  }
0x33: {  	[sflag:s14] =	ssyncset.done $0x0  }
0x34: {  	[sflag:s14] =	ssyncadd.s32 $0xFFFFF800  }
0x35: {  	_ =	sfence.sel $0x180000  }
0x36: {  	[bflag:$0x0] =	sbarrier.arrive $0xFFFF  }
0x37: {  	p0 =	sne.s32 s0, $0x0;
	_ =	strace $0x9000004A  }
0x38: {  	s0 =	sadd.s32 @!p0 $0x100000, s1;
	[bflag:$0x2] =	sbarrier.arrive $0xFFFF  }
0x39: {  	[sflag:s0] =	ssyncadd.tile.s32 @!p0 $0x1;
	_ =	shalt  }
.Lfunc_end2:
_tile_overlayer_lowered:
.L_overlay_start_2:
0x3a: {  	(tag) =	ssettag $0x2  }
0x3b: {  	s0 =	rddreg [dreg:$0x0];
	s2 =	stileid.u32  }
0x3c: {  	s1 =	rddreg [dreg:$0x1];
	p0 =	sne.s32 s2, $0x0  }
0x3d: {  	s3 =	rddreg [dreg:$0x2];
	[bflag:$0x3] =	sbarrier.arrive $0xFFFF;
	s2 =	simm.s32 @!p0 $0x1C03  }
0x3e: {  	[timem:s3], [sflag:s2] =	dma.local @!p0 [hbm:s0], s1  }
0x3f: {  	s0 =	simm.s32 @!p0 $0x3  }
0x40: {  	_ =	swait.ge @!p0 [sflag:s0], s1  }
0x41: {  	s1 =	ssub.s32 @!p0 $0x0, s1;
	[sflag:s0] =	ssyncset.done @!p0 $0x0  }
0x42: {  	[sflag:s0] =	ssyncadd.s32 @!p0 s1  }
0x43: {  	[bflag:$0x3] =	sbarrier.arrive $0xFFFF  }
0x44: {  	_ =	shalt  }

// kernel: kernel.17.cloned.1.call-start
scs
__scs_entry_jumppad:
0x0: {  	(pc) =	sbr.rel $0x88, $3  }
0x1: {  	(tag) =	ssettag $0x0;
	lr =	simm.s32 $0x1  }
0x2: {  	[smem:$0x3F90] =	sst lr;
	_ =	strace $0xD0000000  }
0x3: {  	_ = 	snop  }
0x4: {  	_ = 	snop  }
0x5: {  	_ = 	snop  }
0x6: {  	_ = 	snop  }
0x7: {  	_ = 	snop  }
__scs_overlays_trampoline_lowered:
0x8: {  	[smem:$0x3F9F] =	sst s0  }
0x9: {  	[smem:$0x3FA0] =	sst s1  }
0xa: {  	[smem:$0x3FA1] =	sst s2  }
0xb: {  	[smem:$0x3FA2] =	sst s3  }
0xc: {  	[smem:$0x3FA3] =	sst s4  }
0xd: {  	[smem:$0x3FA4] =	sst s5  }
0xe: {  	[smem:$0x3FA5] =	sst s6  }
0xf: {  	[smem:$0x3FA6] =	sst s7  }
0x10: {  	[smem:$0x3FA7] =	sst s8  }
0x11: {  	[smem:$0x3FA8] =	sst s9;
	s0 =	simm.s32 @!p0 $0x0  }
0x12: {  	s1 =	sld [smem:$0x3F8E];
	s0 =	simm.s32 @p0 $0x1  }
0x13: {  	[smem:$0x3FA9] =	sst s0;
	s0 =	simm.s32 @!p1 $0x0  }
0x14: {  	s2 =	sld [smem:$0x3F8D];
	s0 =	simm.s32 @p1 $0x1  }
0x15: {  	[smem:$0x3FAA] =	sst s0;
	s0 =	simm.s32 @!p2 $0x0  }
0x16: {  	s3 =	sld [smem:$0x3FDB];
	s0 =	simm.s32 @p2 $0x1  }
0x17: {  	s4 =	simm.s32 $0x1BF5;
	[smem:$0x3FAC] =	sst s0  }
0x18: {  	s0 =	sld [smem:$0x3F8F];
	_ =	swait.ge [sflag:s4], $0x0  }
0x19: {  	s7 =	sld [smem:$0x3F90]  }
0x1a: {  	s8 =	sadd.s32 $0xFFFFE003, lr  }
0x1b: {  	s9 =	sadd.s32 $0xFFFFFEF7, lr;
	s5 =	simm.s32 $0xFFFFFFFF;
	p2 =	slt.u32 s8, $0xFFFFF086  }
0x1c: {  	p1 =	slt.u32 s9, $0xF7A;
	s5 =	simm.s32 @!p2 $0x0  }
0x1d: {  	s5 =	simm.s32 @p1 $0x1;
	p0 =	seq.s32 s7, s2  }
0x1e: {  	s7 =	smul.u32 @!p0 $0xF7A, s2;
	p2 =	seq.s32 @!p0 s5, $0x0  }
0x1f: {  	s9 =	smul.u32 $0xF7A, s1;
	s8 =	simm.s32 @!p0 $0x1BF5;
	p2 =	por !p2, p0  }
0x20: {  	[sflag:s8] =	ssyncset.s32 @!p0 $0xFFFFF086;
	s6 =	sadd.s32 @!p0 s3, s7;
	s7 =	simm.s32 @!p0 $0x108  }
0x21: {  	s3 =	sadd.s32 s3, s9;
	s6 =	sadd.s32 @!p0 $0x88, s6;
	s7 =	simm.s32 @p2 $0x1082  }
0x22: {  	[simem:s7], [sflag:s8] =	dma.local @!p0 [hbm:s6], $0xF7A  }
0x23: {  	s9 =	sor.u32 $0xD0000000, s2;
	s6 =	simm.s32 $0x108;
	_ =	swait.ge @!p0 [sflag:s8], $0x0  }
0x24: {  	s3 =	sadd.s32 $0x88, s3;
	s6 =	simm.s32 @!p1 $0x1082;
	[sflag:s4] =	ssyncset.s32 $0xFFFFF086  }
0x25: {  	[simem:s6], [sflag:s4] =	dma.local [hbm:s3], $0xF7A  }
0x26: {  	[smem:$0x3F90] =	sst s1;
	(tag) =	ssettag s2;
	_ =	strace s9  }
0x27: {  	s1 =	sld [smem:$0x3FA0]  }
0x28: {  	s2 =	sld [smem:$0x3FA1]  }
0x29: {  	s4 =	sld [smem:$0x3FA3]  }
0x2a: {  	p0 =	seq.s32 s5, $0x0;
	s5 =	sld [smem:$0x3FA4]  }
0x2b: {  	s6 =	sld [smem:$0x3FA5]  }
0x2c: {  	s7 =	sld [smem:$0x3FA6]  }
0x2d: {  	s3 =	simm.s32 $0x108;
	s8 =	sld [smem:$0x3FA7]  }
0x2e: {  	s3 =	simm.s32 @!p0 $0x1082;
	s9 =	sld [smem:$0x3FA8]  }
0x2f: {  	lr =	sadd.s32 s0, s3;
	s0 =	sld [smem:$0x3F9F]  }
0x30: {  	s3 =	sld [smem:$0x3FA2]  }
0x31: {  	[smem:$0x3FAB] =	sst s10  }
0x32: {  	s10 =	sld [smem:$0x3FA9];
	_ =	sdelay $0x3  }
0x33: {  	p0 =	seq.s32 s10, $0x1;
	s10 =	sld [smem:$0x3FAB];
	_ =	sdelay $0x3  }
0x34: {  	[smem:$0x3FAB] =	sst s10  }
0x35: {  	s10 =	sld [smem:$0x3FAA];
	_ =	sdelay $0x3  }
0x36: {  	p1 =	seq.s32 s10, $0x1;
	s10 =	sld [smem:$0x3FAB];
	_ =	sdelay $0x3  }
0x37: {  	[smem:$0x3FAB] =	sst s10  }
0x38: {  	s10 =	sld [smem:$0x3FAC]  }
0x39: {  	_ = 	snop;
	(pc) =	sbr.ind lr, $3  }
0x3a: {  	_ = 	snop  }
0x3b: {  	_ = 	snop  }
0x3c: {  	p2 =	seq.s32 s10, $0x1;
	s10 =	sld [smem:$0x3FAB]  }
0x3d: {  	_ =	shalt  }
0x3e: {  	_ =	shalt  }
0x3f: {  	_ =	shalt  }
0x40: {  	_ =	shalt  }
0x41: {  	_ =	shalt  }
0x42: {  	_ =	shalt  }
0x43: {  	_ =	shalt  }
0x44: {  	_ =	shalt  }
0x45: {  	_ =	shalt  }
0x46: {  	_ =	shalt  }
0x47: {  	_ =	shalt  }
0x48: {  	_ =	shalt  }
0x49: {  	_ =	shalt  }
0x4a: {  	_ =	shalt  }
0x4b: {  	_ =	shalt  }
0x4c: {  	_ =	shalt  }
0x4d: {  	_ =	shalt  }
0x4e: {  	_ =	shalt  }
0x4f: {  	_ =	shalt  }
0x50: {  	_ =	shalt  }
0x51: {  	_ =	shalt  }
0x52: {  	_ =	shalt  }
0x53: {  	_ =	shalt  }
0x54: {  	_ =	shalt  }
0x55: {  	_ =	shalt  }
0x56: {  	_ =	shalt  }
0x57: {  	_ =	shalt  }
0x58: {  	_ =	shalt  }
0x59: {  	_ =	shalt  }
0x5a: {  	_ =	shalt  }
0x5b: {  	_ =	shalt  }
0x5c: {  	_ =	shalt  }
0x5d: {  	_ =	shalt  }
0x5e: {  	_ =	shalt  }
0x5f: {  	_ =	shalt  }
0x60: {  	_ =	shalt  }
0x61: {  	_ =	shalt  }
0x62: {  	_ =	shalt  }
0x63: {  	_ =	shalt  }
0x64: {  	_ =	shalt  }
0x65: {  	_ =	shalt  }
0x66: {  	_ =	shalt  }
0x67: {  	_ =	shalt  }
0x68: {  	_ =	shalt  }
0x69: {  	_ =	shalt  }
0x6a: {  	_ =	shalt  }
0x6b: {  	_ =	shalt  }
0x6c: {  	_ =	shalt  }
0x6d: {  	_ =	shalt  }
0x6e: {  	_ =	shalt  }
0x6f: {  	_ =	shalt  }
0x70: {  	_ =	shalt  }
0x71: {  	_ =	shalt  }
0x72: {  	_ =	shalt  }
0x73: {  	_ =	shalt  }
0x74: {  	_ =	shalt  }
0x75: {  	_ =	shalt  }
0x76: {  	_ =	shalt  }
0x77: {  	_ =	shalt  }
0x78: {  	_ =	shalt  }
0x79: {  	_ =	shalt  }
0x7a: {  	_ =	shalt  }
0x7b: {  	_ =	shalt  }
0x7c: {  	_ =	shalt  }
0x7d: {  	_ =	shalt  }
0x7e: {  	_ =	shalt  }
0x7f: {  	_ =	shalt  }
0x80: {  	_ =	shalt  }
0x81: {  	_ =	shalt  }
0x82: {  	_ =	shalt  }
0x83: {  	_ =	shalt  }
0x84: {  	_ =	shalt  }
0x85: {  	_ =	shalt  }
0x86: {  	_ =	shalt  }
0x87: {  	_ =	shalt  }
.Lfunc_end0:
.L_simem_size_0:
called_computation.2_lowered:
.L_overlay_start_0:
0x88: {  	s2 =	sld [smem:$0x3FD9]  }
0x89: {  	s3 =	sld [smem:$0x3FFE];
	_ =	sdelay $0x1  }
0x8a: {  	s1 =	srdreg.scid  }
0x8b: {  	s0 =	sand.u32 $0x1, s1  }
0x8c: {  	s17 =	sshll.u32 s0, $0xA;
	s2 =	sadd.s32 s3, s2  }
0x8d: {  	s2 =	sadd.s32 s2, s17  }
0x8e: {  	[smem:$0x3FB7] =	sst s2  }
0x8f: {  	_ = 	snop  }
0x90: {  	(tm) =	ssettm $0x1  }
0x91: {  	s18 =	sld [smem:$0x3FFB];
	_ =	sdelay $0x3  }
0x92: {  	_ =	strace s18  }
0x93: {  	s2 =	sld [smem:$0x3FFC];
	_ =	sdelay $0x3  }
0x94: {  	_ =	strace s2  }
0x95: {  	s2 =	sld [smem:$0x3FFD];
	_ =	sdelay $0x3  }
0x96: {  	_ =	strace s2  }
0x97: {  	_ =	strace $0x8FFFFFFF  }
0x98: {  	s19 =	sld [smem:$0x3FDB];
	_ =	sdelay $0x1  }
0x99: {  	s20 =	simm.s32 $_scs_section_size  }
0x9a: {  	s4 =	simm.s32 $_size__tile_overlayer_lowered;
	s5 =	simm.s32 $_tile_overlayer_lowered  }
0x9b: {  	s6 =	simm.s32 $0x1BFF;
	s21 =	sshll.u32 s5, $0x1;
	s3 =	sadd.s32 s20, s19  }
0x9c: {  	s22 =	simm.s32 $0x0;
	s4 =	sshll.u32 s4, $0x1;
	s5 =	sadd.s32 s21, s3  }
0x9d: {  	[timem:s22], [sflag:s6] =	dma.local [hbm:s5], s4  }
0x9e: {  	_ =	swait.ge [sflag:s6], s4  }
0x9f: {  	s4 =	ssub.s32 $0x0, s4;
	[sflag:s6] =	ssyncset.done $0x0  }
0xa0: {  	[sflag:s6] =	ssyncadd.s32 s4;
	_ =	sdelay $0x1  }
0xa1: {  	s23 =	simm.s32 $0x1B8B  }
0xa2: {  	_ =	swait.ge [sflag:s23], $0x1  }
0xa3: {  	[sflag:s23] =	ssyncset.done $0x0  }
0xa4: {  	[sflag:s23] =	ssyncadd.s32 $0xFFFFFFFF  }
0xa5: {  	s4 =	sld [smem:$0x0]  }
0xa6: {  	s5 =	sand.u32 $0xFFFFFFFE, s1  }
0xa7: {  	p0 =	sne.s32 s1, s5  }
0xa8: {  	s5 =	sshll.u32 @p0 s5, $0xE  }
0xa9: {  	s5 =	sadd.s32 @p0 $0x11B8D, s5;
	s6 =	sshll.u32 @p0 s4, $0x11  }
0xaa: {  	s5 =	sor.u32 @p0 s6, s5  }
0xab: {  	[sflag:s5] =	ssyncadd.remote.s32 @p0 $0x1;
	_ =	sdelay $0x1  }
0xac: {  	s5 =	simm.s32 @p0 $0x1B8D  }
0xad: {  	_ =	swait.eq @p0 [sflag:s5], $0x1  }
0xae: {  	[sflag:s5] =	ssyncadd.s32 @p0 $0xFFFFFFFF  }
0xaf: {  	s6 =	sshll.u32 @!p0 s1, $0xE  }
0xb0: {  	s6 =	sor.u32 @!p0 $0x4000, s6;
	s5 =	simm.s32 @!p0 $0x1B8D  }
0xb1: {  	s4 =	sshll.u32 @!p0 s4, $0x11;
	s6 =	sadd.s32 @!p0 $0x11B8D, s6;
	_ =	swait.eq @!p0 [sflag:s5], $0x1  }
0xb2: {  	s4 =	sor.u32 @!p0 s4, s6;
	[sflag:s5] =	ssyncadd.s32 @!p0 $0xFFFFFFFF  }
0xb3: {  	s25 =	simm.s32 $0x1B8E;
	s24 =	sld [smem:$0x3FFE];
	[sflag:s4] =	ssyncadd.remote.s32 @!p0 $0x1  }
0xb4: {  	s26 =	simm.s32 $execute0_lowered;
	[smem:$0x3FD2] =	sst s25  }
0xb5: {  	s5 =	sshll.u32 s26, $0x1;
	_ =	strace $0x8000004F;
	[dreg:$0x1] =	wrdreg $0xFFFFFFFF  }
0xb6: {  	s28 =	simm.s32 $_size_execute0_lowered;
	s3 =	sadd.s32 s3, s5;
	[dreg:$0x0] =	wrdreg $0x0  }
0xb7: {  	s5 =	sshll.u32 s28, $0x1;
	[dreg:$0x2] =	wrdreg s3  }
0xb8: {  	[dreg:$0x3] =	wrdreg s5  }
0xb9: {  	[dreg:$0x4] =	wrdreg $0xC0  }
0xba: {  	_ =	task [dreg:s22], $0x5FFFF  }
0xbb: {  	[dreg:$0x1] =	wrdreg $0xFFFFFFFF  }
0xbc: {  	[dreg:$0x0] =	wrdreg $0x60  }
0xbd: {  	[dreg:$0x2] =	wrdreg s24  }
0xbe: {  	[dreg:$0x3] =	wrdreg $0xB  }
0xbf: {  	_ =	task.clear_ibuf [dreg:s22], $0x4FFFF;
	_ =	strace $0x9000004F  }
0xc0: {  	s29 =	simm.s32 $0xB;
	_ =	strace $0x80000051  }
0xc1: {  	_ =	swait.ge [sflag:s29], $0x1  }
0xc2: {  	[sflag:s29] =	ssyncadd.s32 $0xFFFFFFFF  }
0xc3: {  	_ =	strace $0x90000051  }
0xc4: {  	_ =	sfence  }
0xc5: {  	s30 =	sld [smem:$0x0];
	_ =	sdelay $0x2  }
0xc6: {  	s31 =	sshll.u32 s1, $0xD;
	s1 =	sshrl.u32 s1, $0x2  }
0xc7: {  	s4 =	sand.u32 $0x4000, s31;
	s1 =	sadd.s32 s1, s30  }
0xc8: {  	s0 =	sor.u32 s4, s0;
	s1 =	sshll.u32 s1, $0x11  }
0xc9: {  	s0 =	sor.u32 s1, s0  }
0xca: {  	s0 =	sadd.s32 $0x8F2B, s0  }
0xcb: {  	[sflag:s0] =	ssyncadd.remote.s32 $0x1  }
0xcc: {  	_ =	sfence.sel $0xFFFF  }
0xcd: {  	[dreg:$0x0] =	wrdreg $0xFFFFFFFF;
	(pc) =	sbr.abs _section_cstart, $3  }
0xce: {  	[dreg:$0x1] =	wrdreg $0xFFFFFFFF  }
0xcf: {  	_ =	task.clear_ibuf [dreg:s22], $0x2FFFF;
	_ =	strace $0x9FFFFFFF  }
0xd0: {  	(tm) =	ssettm $0x7FFFFFFF  }
0xd1: {  	_ =	shalt  }
tec
execute0_lowered:
.L_overlay_start_1:
0x0: {  	(tag) =	ssettag $0x1  }
0x1: {  	s1 =	srdreg.scid;
	s0 =	stileid.u32  }
0x2: {  	s22 =	sand.u32 $0x1, s1;
	s31 =	sshll.u32 s0, $0x1  }
0x3: {  	s1 =	sor.u32 s22, s31  }
0x4: {  	s3 =	smul.u32 $0x60, s1  }
0x5: {  	s12 =	rddreg [dreg:$0x0];
	s2 =	simm.s32 $0x0  }
0x6: {  	s4 =	simm.s32 $0x3;
	[smem:$0x7FF] =	sst s2;
	s5 =	sadd.s32 s3, s12  }
0x7: {  	s1 =	rddreg [dreg:$0x1];
	_ =	strace $0x80000050;
	s3 =	sadd.s32 $0x4A6200, s5  }
0x8: {  	[tilespmem:s2], [sflag:$0x3] =	stream.linear.gather [hbm4b:s3+s2], $0x300, $0x38;
	[tilespmem:$0x1600] =	vst v63  }
0x9: {  	_ =	swait.ge [sflag:s4], $0x300  }
0xa: {  	[sflag:s4] =	ssyncset.done $0x0  }
0xb: {  	s6 =	simm.s32 $0x300;
	s5 =	sadd.s32 $0x485600, s5;
	[sflag:s4] =	ssyncadd.s32 $0xFFFFFD00  }
0xc: {  	[tilespmem:s6], [sflag:$0x3] =	stream.linear.gather [hbm4b:s5+s2], $0x300, $0x38;
	[tilespmem:$0x1600] =	vst v63  }
0xd: {  	_ =	swait.ge [sflag:s4], $0x300  }
0xe: {  	s8 =	simm.s32 $0x80;
	[sflag:s4] =	ssyncset.done $0x0  }
0xf: {  	s9 =	simm.s32 $0x600;
	s7 =	sadd.s32 $0x3ECA00, s12;
	[sflag:s4] =	ssyncadd.s32 $0xFFFFFD00  }
0x10: {  	[tilespmem:s9], [sflag:$0x1] =	stream.indirect.gather [hbm4b:s7+s8], $0x10, s2, s8, $0xb8;
	[tilespmem:$0x1600] =	vst v63  }
0x11: {  	s10 =	simm.s32 $0xE00;
	s11 =	simm.s32 $0x1  }
0x12: {  	[tilespmem:s10], [sflag:$0x1] =	stream.indirect.gather [hbm4b:s7+s8], $0x10, s8, s8, $0xb8;
	[tilespmem:$0x1600] =	vst v63  }
0x13: {  	_ =	swait.ge [sflag:s11], $0x800  }
0x14: {  	[sflag:s11] =	ssyncset.done $0x0  }
0x15: {  	s13 =	sadd.s32 $0x4A6E00, s12;
	s12 =	simm.s32 $0x2;
	[sflag:s11] =	ssyncadd.s32 $0xFFFFF800  }
0x16: {  	[hbm4b:s13+s8] =	stream.indirect.scatter [tilespmem:s9], [sflag:$0x2], $0x10, s6, s8, $0xb8;
	[tilespmem:$0x1600] =	vst v63  }
0x17: {  	_ =	swait.ge [sflag:s12], $0x800  }
0x18: {  	[sflag:s12] =	ssyncset.done $0x0  }
0x19: {  	s14 =	simm.s32 $0x100;
	[sflag:s12] =	ssyncadd.s32 $0xFFFFF800  }
0x1a: {  	[tilespmem:s9], [sflag:$0x1] =	stream.indirect.gather [hbm4b:s7+s8], $0x10, s14, s8, $0xb8;
	[tilespmem:$0x1600] =	vst v63  }
0x1b: {  	_ =	swait.ge [sflag:s11], $0x800  }
0x1c: {  	[sflag:s11] =	ssyncset.done $0x0  }
0x1d: {  	s15 =	simm.s32 $0x380;
	[sflag:s11] =	ssyncadd.s32 $0xFFFFF800  }
0x1e: {  	[hbm4b:s13+s8] =	stream.indirect.scatter [tilespmem:s10], [sflag:$0x2], $0x10, s15, s8, $0xb8;
	[tilespmem:$0x1600] =	vst v63  }
0x1f: {  	_ =	swait.ge [sflag:s12], $0x800  }
0x20: {  	[sflag:s12] =	ssyncset.done $0x0  }
0x21: {  	s16 =	simm.s32 $0x180;
	[sflag:s12] =	ssyncadd.s32 $0xFFFFF800  }
0x22: {  	[tilespmem:s10], [sflag:$0x1] =	stream.indirect.gather [hbm4b:s7+s8], $0x10, s16, s8, $0xb8;
	[tilespmem:$0x1600] =	vst v63  }
0x23: {  	_ =	swait.ge [sflag:s11], $0x800  }
0x24: {  	[sflag:s11] =	ssyncset.done $0x0  }
0x25: {  	s17 =	simm.s32 $0x400;
	[sflag:s11] =	ssyncadd.s32 $0xFFFFF800  }
0x26: {  	[hbm4b:s13+s8] =	stream.indirect.scatter [tilespmem:s9], [sflag:$0x2], $0x10, s17, s8, $0xb8;
	[tilespmem:$0x1600] =	vst v63  }
0x27: {  	_ =	swait.ge [sflag:s12], $0x800  }
0x28: {  	[sflag:s12] =	ssyncset.done $0x0  }
0x29: {  	s18 =	simm.s32 $0x200;
	[sflag:s12] =	ssyncadd.s32 $0xFFFFF800  }
0x2a: {  	[tilespmem:s9], [sflag:$0x1] =	stream.indirect.gather [hbm4b:s7+s8], $0x10, s18, s8, $0xb8;
	[tilespmem:$0x1600] =	vst v63  }
0x2b: {  	_ =	swait.ge [sflag:s11], $0x800  }
0x2c: {  	[sflag:s11] =	ssyncset.done $0x0  }
0x2d: {  	s19 =	simm.s32 $0x480;
	[sflag:s11] =	ssyncadd.s32 $0xFFFFF800  }
0x2e: {  	[hbm4b:s13+s8] =	stream.indirect.scatter [tilespmem:s10], [sflag:$0x2], $0x10, s19, s8, $0xb8;
	[tilespmem:$0x1600] =	vst v63  }
0x2f: {  	_ =	swait.ge [sflag:s12], $0x800  }
0x30: {  	[sflag:s12] =	ssyncset.done $0x0  }
0x31: {  	s20 =	simm.s32 $0x280;
	[sflag:s12] =	ssyncadd.s32 $0xFFFFF800  }
0x32: {  	[tilespmem:s10], [sflag:$0x1] =	stream.indirect.gather [hbm4b:s7+s8], $0x10, s20, s8, $0xb8;
	[tilespmem:$0x1600] =	vst v63  }
0x33: {  	_ =	swait.ge [sflag:s11], $0x800  }
0x34: {  	[sflag:s11] =	ssyncset.done $0x0  }
0x35: {  	s21 =	simm.s32 $0x500;
	s22 =	ssub.s32 $0x2, s22;
	[sflag:s11] =	ssyncadd.s32 $0xFFFFF800  }
0x36: {  	[hbm4b:s13+s8] =	stream.indirect.scatter [tilespmem:s9], [sflag:$0x2], $0x10, s21, s8, $0xb8;
	[tilespmem:$0x1600] =	vst v63  }
0x37: {  	s23 =	sshrl.u32 s22, $0x1;
	_ =	swait.ge [sflag:s12], $0x800  }
0x38: {  	s22 =	ssub.s32 s22, s23;
	[sflag:s12] =	ssyncset.done $0x0  }
0x39: {  	s23 =	smax.u32 s22, $0x1;
	[sflag:s12] =	ssyncadd.s32 $0xFFFFF800  }
0x3a: {  	p0 =	sne.s32 s23, $0x1;
	_ =	swait.ge [sflag:s11], $0x800  }
.Ltmp0:
0x3b: {  	[sflag:s11] =	ssyncset.done $0x0;
	(pc) =	sbr.rel @!p0 .LBB2_2-.Ltmp0, $4  }
0x3c: {  	s22 =	simm.s32 $0x580;
	[sflag:s11] =	ssyncadd.s32 $0xFFFFF800  }
0x3d: {  	[hbm4b:s13+s8] =	stream.indirect.scatter [tilespmem:s10], [sflag:$0x2], $0x10, s22, s8, $0xb8;
	[tilespmem:$0x1600] =	vst v63  }
0x3e: {  	_ =	swait.ge [sflag:s12], $0x800  }
0x3f: {  	s23 =	sadd.s32 $0xFFFFFFFF, s23;
	[sflag:s12] =	ssyncset.done $0x0  }
.LBB2_1:
0x40: {  	p0 =	sne.s32 s23, $0x1;
	s23 =	sadd.s32 $0xFFFFFFFF, s23;
	[sflag:s12] =	ssyncadd.s32 $0xFFFFF800  }
0x41: {  	[tilespmem:s2], [sflag:$0x3] =	stream.linear.gather [hbm4b:s3+s2], $0x300, $0x38;
	[tilespmem:$0x1600] =	vst v63  }
0x42: {  	_ =	swait.ge [sflag:s4], $0x300  }
0x43: {  	[sflag:s4] =	ssyncset.done $0x0  }
0x44: {  	[sflag:s4] =	ssyncadd.s32 $0xFFFFFD00  }
0x45: {  	[tilespmem:s6], [sflag:$0x3] =	stream.linear.gather [hbm4b:s5+s2], $0x300, $0x38;
	[tilespmem:$0x1600] =	vst v63  }
0x46: {  	_ =	swait.ge [sflag:s4], $0x300  }
0x47: {  	[sflag:s4] =	ssyncset.done $0x0  }
0x48: {  	[sflag:s4] =	ssyncadd.s32 $0xFFFFFD00  }
0x49: {  	[tilespmem:s9], [sflag:$0x1] =	stream.indirect.gather [hbm4b:s7+s8], $0x10, s2, s8, $0xb8;
	[tilespmem:$0x1600] =	vst v63  }
0x4a: {  	_ = 	snop  }
0x4b: {  	[tilespmem:s10], [sflag:$0x1] =	stream.indirect.gather [hbm4b:s7+s8], $0x10, s8, s8, $0xb8;
	[tilespmem:$0x1600] =	vst v63  }
0x4c: {  	_ =	swait.ge [sflag:s11], $0x800  }
0x4d: {  	[sflag:s11] =	ssyncset.done $0x0  }
0x4e: {  	[sflag:s11] =	ssyncadd.s32 $0xFFFFF800  }
0x4f: {  	[hbm4b:s13+s8] =	stream.indirect.scatter [tilespmem:s9], [sflag:$0x2], $0x10, s6, s8, $0xb8;
	[tilespmem:$0x1600] =	vst v63  }
0x50: {  	_ =	swait.ge [sflag:s12], $0x800  }
0x51: {  	[sflag:s12] =	ssyncset.done $0x0  }
0x52: {  	[sflag:s12] =	ssyncadd.s32 $0xFFFFF800  }
0x53: {  	[tilespmem:s9], [sflag:$0x1] =	stream.indirect.gather [hbm4b:s7+s8], $0x10, s14, s8, $0xb8;
	[tilespmem:$0x1600] =	vst v63  }
0x54: {  	_ =	swait.ge [sflag:s11], $0x800  }
0x55: {  	[sflag:s11] =	ssyncset.done $0x0  }
0x56: {  	[sflag:s11] =	ssyncadd.s32 $0xFFFFF800  }
0x57: {  	[hbm4b:s13+s8] =	stream.indirect.scatter [tilespmem:s10], [sflag:$0x2], $0x10, s15, s8, $0xb8;
	[tilespmem:$0x1600] =	vst v63  }
0x58: {  	_ =	swait.ge [sflag:s12], $0x800  }
0x59: {  	[sflag:s12] =	ssyncset.done $0x0  }
0x5a: {  	[sflag:s12] =	ssyncadd.s32 $0xFFFFF800  }
0x5b: {  	[tilespmem:s10], [sflag:$0x1] =	stream.indirect.gather [hbm4b:s7+s8], $0x10, s16, s8, $0xb8;
	[tilespmem:$0x1600] =	vst v63  }
0x5c: {  	_ =	swait.ge [sflag:s11], $0x800  }
0x5d: {  	[sflag:s11] =	ssyncset.done $0x0  }
0x5e: {  	[sflag:s11] =	ssyncadd.s32 $0xFFFFF800  }
0x5f: {  	[hbm4b:s13+s8] =	stream.indirect.scatter [tilespmem:s9], [sflag:$0x2], $0x10, s17, s8, $0xb8;
	[tilespmem:$0x1600] =	vst v63  }
0x60: {  	_ =	swait.ge [sflag:s12], $0x800  }
0x61: {  	[sflag:s12] =	ssyncset.done $0x0  }
0x62: {  	[sflag:s12] =	ssyncadd.s32 $0xFFFFF800  }
0x63: {  	[tilespmem:s9], [sflag:$0x1] =	stream.indirect.gather [hbm4b:s7+s8], $0x10, s18, s8, $0xb8;
	[tilespmem:$0x1600] =	vst v63  }
0x64: {  	_ =	swait.ge [sflag:s11], $0x800  }
0x65: {  	[sflag:s11] =	ssyncset.done $0x0  }
0x66: {  	[sflag:s11] =	ssyncadd.s32 $0xFFFFF800  }
0x67: {  	[hbm4b:s13+s8] =	stream.indirect.scatter [tilespmem:s10], [sflag:$0x2], $0x10, s19, s8, $0xb8;
	[tilespmem:$0x1600] =	vst v63  }
0x68: {  	_ =	swait.ge [sflag:s12], $0x800  }
0x69: {  	[sflag:s12] =	ssyncset.done $0x0  }
0x6a: {  	[sflag:s12] =	ssyncadd.s32 $0xFFFFF800  }
0x6b: {  	[tilespmem:s10], [sflag:$0x1] =	stream.indirect.gather [hbm4b:s7+s8], $0x10, s20, s8, $0xb8;
	[tilespmem:$0x1600] =	vst v63  }
0x6c: {  	_ =	swait.ge [sflag:s11], $0x800  }
0x6d: {  	[sflag:s11] =	ssyncset.done $0x0  }
0x6e: {  	[sflag:s11] =	ssyncadd.s32 $0xFFFFF800  }
0x6f: {  	[hbm4b:s13+s8] =	stream.indirect.scatter [tilespmem:s9], [sflag:$0x2], $0x10, s21, s8, $0xb8;
	[tilespmem:$0x1600] =	vst v63  }
0x70: {  	_ =	swait.ge [sflag:s12], $0x800  }
0x71: {  	[sflag:s12] =	ssyncset.done $0x0  }
0x72: {  	[sflag:s12] =	ssyncadd.s32 $0xFFFFF800  }
0x73: {  	_ =	swait.ge [sflag:s11], $0x800  }
.Ltmp1:
0x74: {  	[sflag:s11] =	ssyncset.done $0x0;
	(pc) =	sbr.rel @p0 .LBB2_1-.Ltmp1, $4  }
0x75: {  	[sflag:s11] =	ssyncadd.s32 $0xFFFFF800  }
0x76: {  	[hbm4b:s13+s8] =	stream.indirect.scatter [tilespmem:s10], [sflag:$0x2], $0x10, s22, s8, $0xb8;
	[tilespmem:$0x1600] =	vst v63  }
0x77: {  	_ =	swait.ge [sflag:s12], $0x800  }
0x78: {  	[sflag:s12] =	ssyncset.done $0x0  }
.LBB2_2:
0x79: {  	[sflag:s12] =	ssyncadd.s32 $0xFFFFF800  }
0x7a: {  	_ =	sfence.sel $0x180000  }
0x7b: {  	[bflag:$0x0] =	sbarrier.arrive $0xFFFF  }
0x7c: {  	p0 =	sne.s32 s0, $0x0;
	_ =	strace $0x90000050  }
0x7d: {  	s0 =	sadd.s32 @!p0 $0x100000, s1;
	[bflag:$0x2] =	sbarrier.arrive $0xFFFF  }
0x7e: {  	[sflag:s0] =	ssyncadd.tile.s32 @!p0 $0x1;
	_ =	shalt  }
.Lfunc_end2:
_tile_overlayer_lowered:
.L_overlay_start_2:
0x7f: {  	(tag) =	ssettag $0x2  }
0x80: {  	s0 =	rddreg [dreg:$0x0];
	s2 =	stileid.u32  }
0x81: {  	s1 =	rddreg [dreg:$0x1];
	p0 =	sne.s32 s2, $0x0  }
0x82: {  	s3 =	rddreg [dreg:$0x2];
	[bflag:$0x3] =	sbarrier.arrive $0xFFFF;
	s2 =	simm.s32 @!p0 $0x1C03  }
0x83: {  	[timem:s3], [sflag:s2] =	dma.local @!p0 [hbm:s0], s1  }
0x84: {  	s0 =	simm.s32 @!p0 $0x3  }
0x85: {  	_ =	swait.ge @!p0 [sflag:s0], s1  }
0x86: {  	s1 =	ssub.s32 @!p0 $0x0, s1;
	[sflag:s0] =	ssyncset.done @!p0 $0x0  }
0x87: {  	[sflag:s0] =	ssyncadd.s32 @!p0 s1  }
0x88: {  	[bflag:$0x3] =	sbarrier.arrive $0xFFFF  }
0x89: {  	_ =	shalt  }

// kernel: kernel.20.cloned.1.call-start
scs
__scs_entry_jumppad:
0x0: {  	(pc) =	sbr.rel $0x88, $3  }
0x1: {  	(tag) =	ssettag $0x0;
	lr =	simm.s32 $0x1  }
0x2: {  	[smem:$0x3F90] =	sst lr;
	_ =	strace $0xD0000000  }
0x3: {  	_ = 	snop  }
0x4: {  	_ = 	snop  }
0x5: {  	_ = 	snop  }
0x6: {  	_ = 	snop  }
0x7: {  	_ = 	snop  }
__scs_overlays_trampoline_lowered:
0x8: {  	[smem:$0x3F9F] =	sst s0  }
0x9: {  	[smem:$0x3FA0] =	sst s1  }
0xa: {  	[smem:$0x3FA1] =	sst s2  }
0xb: {  	[smem:$0x3FA2] =	sst s3  }
0xc: {  	[smem:$0x3FA3] =	sst s4  }
0xd: {  	[smem:$0x3FA4] =	sst s5  }
0xe: {  	[smem:$0x3FA5] =	sst s6  }
0xf: {  	[smem:$0x3FA6] =	sst s7  }
0x10: {  	[smem:$0x3FA7] =	sst s8  }
0x11: {  	[smem:$0x3FA8] =	sst s9;
	s0 =	simm.s32 @!p0 $0x0  }
0x12: {  	s1 =	sld [smem:$0x3F8E];
	s0 =	simm.s32 @p0 $0x1  }
0x13: {  	[smem:$0x3FA9] =	sst s0;
	s0 =	simm.s32 @!p1 $0x0  }
0x14: {  	s2 =	sld [smem:$0x3F8D];
	s0 =	simm.s32 @p1 $0x1  }
0x15: {  	[smem:$0x3FAA] =	sst s0;
	s0 =	simm.s32 @!p2 $0x0  }
0x16: {  	s3 =	sld [smem:$0x3FDB];
	s0 =	simm.s32 @p2 $0x1  }
0x17: {  	s4 =	simm.s32 $0x1BF5;
	[smem:$0x3FAC] =	sst s0  }
0x18: {  	s0 =	sld [smem:$0x3F8F];
	_ =	swait.ge [sflag:s4], $0x0  }
0x19: {  	s7 =	sld [smem:$0x3F90]  }
0x1a: {  	s8 =	sadd.s32 $0xFFFFE003, lr  }
0x1b: {  	s9 =	sadd.s32 $0xFFFFFEF7, lr;
	s5 =	simm.s32 $0xFFFFFFFF;
	p2 =	slt.u32 s8, $0xFFFFF086  }
0x1c: {  	p1 =	slt.u32 s9, $0xF7A;
	s5 =	simm.s32 @!p2 $0x0  }
0x1d: {  	s5 =	simm.s32 @p1 $0x1;
	p0 =	seq.s32 s7, s2  }
0x1e: {  	s7 =	smul.u32 @!p0 $0xF7A, s2;
	p2 =	seq.s32 @!p0 s5, $0x0  }
0x1f: {  	s9 =	smul.u32 $0xF7A, s1;
	s8 =	simm.s32 @!p0 $0x1BF5;
	p2 =	por !p2, p0  }
0x20: {  	[sflag:s8] =	ssyncset.s32 @!p0 $0xFFFFF086;
	s6 =	sadd.s32 @!p0 s3, s7;
	s7 =	simm.s32 @!p0 $0x108  }
0x21: {  	s3 =	sadd.s32 s3, s9;
	s6 =	sadd.s32 @!p0 $0x88, s6;
	s7 =	simm.s32 @p2 $0x1082  }
0x22: {  	[simem:s7], [sflag:s8] =	dma.local @!p0 [hbm:s6], $0xF7A  }
0x23: {  	s9 =	sor.u32 $0xD0000000, s2;
	s6 =	simm.s32 $0x108;
	_ =	swait.ge @!p0 [sflag:s8], $0x0  }
0x24: {  	s3 =	sadd.s32 $0x88, s3;
	s6 =	simm.s32 @!p1 $0x1082;
	[sflag:s4] =	ssyncset.s32 $0xFFFFF086  }
0x25: {  	[simem:s6], [sflag:s4] =	dma.local [hbm:s3], $0xF7A  }
0x26: {  	[smem:$0x3F90] =	sst s1;
	(tag) =	ssettag s2;
	_ =	strace s9  }
0x27: {  	s1 =	sld [smem:$0x3FA0]  }
0x28: {  	s2 =	sld [smem:$0x3FA1]  }
0x29: {  	s4 =	sld [smem:$0x3FA3]  }
0x2a: {  	p0 =	seq.s32 s5, $0x0;
	s5 =	sld [smem:$0x3FA4]  }
0x2b: {  	s6 =	sld [smem:$0x3FA5]  }
0x2c: {  	s7 =	sld [smem:$0x3FA6]  }
0x2d: {  	s3 =	simm.s32 $0x108;
	s8 =	sld [smem:$0x3FA7]  }
0x2e: {  	s3 =	simm.s32 @!p0 $0x1082;
	s9 =	sld [smem:$0x3FA8]  }
0x2f: {  	lr =	sadd.s32 s0, s3;
	s0 =	sld [smem:$0x3F9F]  }
0x30: {  	s3 =	sld [smem:$0x3FA2]  }
0x31: {  	[smem:$0x3FAB] =	sst s10  }
0x32: {  	s10 =	sld [smem:$0x3FA9];
	_ =	sdelay $0x3  }
0x33: {  	p0 =	seq.s32 s10, $0x1;
	s10 =	sld [smem:$0x3FAB];
	_ =	sdelay $0x3  }
0x34: {  	[smem:$0x3FAB] =	sst s10  }
0x35: {  	s10 =	sld [smem:$0x3FAA];
	_ =	sdelay $0x3  }
0x36: {  	p1 =	seq.s32 s10, $0x1;
	s10 =	sld [smem:$0x3FAB];
	_ =	sdelay $0x3  }
0x37: {  	[smem:$0x3FAB] =	sst s10  }
0x38: {  	s10 =	sld [smem:$0x3FAC]  }
0x39: {  	_ = 	snop;
	(pc) =	sbr.ind lr, $3  }
0x3a: {  	_ = 	snop  }
0x3b: {  	_ = 	snop  }
0x3c: {  	p2 =	seq.s32 s10, $0x1;
	s10 =	sld [smem:$0x3FAB]  }
0x3d: {  	_ =	shalt  }
0x3e: {  	_ =	shalt  }
0x3f: {  	_ =	shalt  }
0x40: {  	_ =	shalt  }
0x41: {  	_ =	shalt  }
0x42: {  	_ =	shalt  }
0x43: {  	_ =	shalt  }
0x44: {  	_ =	shalt  }
0x45: {  	_ =	shalt  }
0x46: {  	_ =	shalt  }
0x47: {  	_ =	shalt  }
0x48: {  	_ =	shalt  }
0x49: {  	_ =	shalt  }
0x4a: {  	_ =	shalt  }
0x4b: {  	_ =	shalt  }
0x4c: {  	_ =	shalt  }
0x4d: {  	_ =	shalt  }
0x4e: {  	_ =	shalt  }
0x4f: {  	_ =	shalt  }
0x50: {  	_ =	shalt  }
0x51: {  	_ =	shalt  }
0x52: {  	_ =	shalt  }
0x53: {  	_ =	shalt  }
0x54: {  	_ =	shalt  }
0x55: {  	_ =	shalt  }
0x56: {  	_ =	shalt  }
0x57: {  	_ =	shalt  }
0x58: {  	_ =	shalt  }
0x59: {  	_ =	shalt  }
0x5a: {  	_ =	shalt  }
0x5b: {  	_ =	shalt  }
0x5c: {  	_ =	shalt  }
0x5d: {  	_ =	shalt  }
0x5e: {  	_ =	shalt  }
0x5f: {  	_ =	shalt  }
0x60: {  	_ =	shalt  }
0x61: {  	_ =	shalt  }
0x62: {  	_ =	shalt  }
0x63: {  	_ =	shalt  }
0x64: {  	_ =	shalt  }
0x65: {  	_ =	shalt  }
0x66: {  	_ =	shalt  }
0x67: {  	_ =	shalt  }
0x68: {  	_ =	shalt  }
0x69: {  	_ =	shalt  }
0x6a: {  	_ =	shalt  }
0x6b: {  	_ =	shalt  }
0x6c: {  	_ =	shalt  }
0x6d: {  	_ =	shalt  }
0x6e: {  	_ =	shalt  }
0x6f: {  	_ =	shalt  }
0x70: {  	_ =	shalt  }
0x71: {  	_ =	shalt  }
0x72: {  	_ =	shalt  }
0x73: {  	_ =	shalt  }
0x74: {  	_ =	shalt  }
0x75: {  	_ =	shalt  }
0x76: {  	_ =	shalt  }
0x77: {  	_ =	shalt  }
0x78: {  	_ =	shalt  }
0x79: {  	_ =	shalt  }
0x7a: {  	_ =	shalt  }
0x7b: {  	_ =	shalt  }
0x7c: {  	_ =	shalt  }
0x7d: {  	_ =	shalt  }
0x7e: {  	_ =	shalt  }
0x7f: {  	_ =	shalt  }
0x80: {  	_ =	shalt  }
0x81: {  	_ =	shalt  }
0x82: {  	_ =	shalt  }
0x83: {  	_ =	shalt  }
0x84: {  	_ =	shalt  }
0x85: {  	_ =	shalt  }
0x86: {  	_ =	shalt  }
0x87: {  	_ =	shalt  }
.Lfunc_end0:
.L_simem_size_0:
called_computation.3_lowered:
.L_overlay_start_0:
0x88: {  	s2 =	sld [smem:$0x3FD9]  }
0x89: {  	s3 =	sld [smem:$0x3FFE];
	_ =	sdelay $0x1  }
0x8a: {  	s1 =	srdreg.scid  }
0x8b: {  	s0 =	sand.u32 $0x1, s1  }
0x8c: {  	s17 =	sshll.u32 s0, $0xA;
	s2 =	sadd.s32 s3, s2  }
0x8d: {  	s2 =	sadd.s32 s2, s17  }
0x8e: {  	[smem:$0x3FB7] =	sst s2  }
0x8f: {  	_ = 	snop  }
0x90: {  	(tm) =	ssettm $0x1  }
0x91: {  	s18 =	sld [smem:$0x3FFB];
	_ =	sdelay $0x3  }
0x92: {  	_ =	strace s18  }
0x93: {  	s2 =	sld [smem:$0x3FFC];
	_ =	sdelay $0x3  }
0x94: {  	_ =	strace s2  }
0x95: {  	s2 =	sld [smem:$0x3FFD];
	_ =	sdelay $0x3  }
0x96: {  	_ =	strace s2  }
0x97: {  	_ =	strace $0x8FFFFFFF  }
0x98: {  	s19 =	sld [smem:$0x3FDB];
	_ =	sdelay $0x1  }
0x99: {  	s20 =	simm.s32 $_scs_section_size  }
0x9a: {  	s4 =	simm.s32 $_size__tile_overlayer_lowered;
	s5 =	simm.s32 $_tile_overlayer_lowered  }
0x9b: {  	s6 =	simm.s32 $0x1BFF;
	s21 =	sshll.u32 s5, $0x1;
	s3 =	sadd.s32 s20, s19  }
0x9c: {  	s22 =	simm.s32 $0x0;
	s4 =	sshll.u32 s4, $0x1;
	s5 =	sadd.s32 s21, s3  }
0x9d: {  	[timem:s22], [sflag:s6] =	dma.local [hbm:s5], s4  }
0x9e: {  	_ =	swait.ge [sflag:s6], s4  }
0x9f: {  	s4 =	ssub.s32 $0x0, s4;
	[sflag:s6] =	ssyncset.done $0x0  }
0xa0: {  	[sflag:s6] =	ssyncadd.s32 s4;
	_ =	sdelay $0x1  }
0xa1: {  	s23 =	simm.s32 $0x1B8B  }
0xa2: {  	_ =	swait.ge [sflag:s23], $0x1  }
0xa3: {  	[sflag:s23] =	ssyncset.done $0x0  }
0xa4: {  	[sflag:s23] =	ssyncadd.s32 $0xFFFFFFFF  }
0xa5: {  	s4 =	sld [smem:$0x0]  }
0xa6: {  	s5 =	sand.u32 $0xFFFFFFFE, s1  }
0xa7: {  	p0 =	sne.s32 s1, s5  }
0xa8: {  	s5 =	sshll.u32 @p0 s5, $0xE  }
0xa9: {  	s5 =	sadd.s32 @p0 $0x11B8D, s5;
	s6 =	sshll.u32 @p0 s4, $0x11  }
0xaa: {  	s5 =	sor.u32 @p0 s6, s5  }
0xab: {  	[sflag:s5] =	ssyncadd.remote.s32 @p0 $0x1;
	_ =	sdelay $0x1  }
0xac: {  	s5 =	simm.s32 @p0 $0x1B8D  }
0xad: {  	_ =	swait.eq @p0 [sflag:s5], $0x1  }
0xae: {  	[sflag:s5] =	ssyncadd.s32 @p0 $0xFFFFFFFF  }
0xaf: {  	s6 =	sshll.u32 @!p0 s1, $0xE  }
0xb0: {  	s6 =	sor.u32 @!p0 $0x4000, s6;
	s5 =	simm.s32 @!p0 $0x1B8D  }
0xb1: {  	s4 =	sshll.u32 @!p0 s4, $0x11;
	s6 =	sadd.s32 @!p0 $0x11B8D, s6;
	_ =	swait.eq @!p0 [sflag:s5], $0x1  }
0xb2: {  	s4 =	sor.u32 @!p0 s4, s6;
	[sflag:s5] =	ssyncadd.s32 @!p0 $0xFFFFFFFF  }
0xb3: {  	s25 =	simm.s32 $0x1B8E;
	s24 =	sld [smem:$0x3FFE];
	[sflag:s4] =	ssyncadd.remote.s32 @!p0 $0x1  }
0xb4: {  	s26 =	simm.s32 $execute0_lowered;
	[smem:$0x3FD2] =	sst s25  }
0xb5: {  	s5 =	sshll.u32 s26, $0x1;
	_ =	strace $0x8000004C;
	[dreg:$0x1] =	wrdreg $0xFFFFFFFF  }
0xb6: {  	s28 =	simm.s32 $_size_execute0_lowered;
	s3 =	sadd.s32 s3, s5;
	[dreg:$0x0] =	wrdreg $0x0  }
0xb7: {  	s5 =	sshll.u32 s28, $0x1;
	[dreg:$0x2] =	wrdreg s3  }
0xb8: {  	[dreg:$0x3] =	wrdreg s5  }
0xb9: {  	[dreg:$0x4] =	wrdreg $0xC0  }
0xba: {  	_ =	task [dreg:s22], $0x5FFFF  }
0xbb: {  	[dreg:$0x1] =	wrdreg $0xFFFFFFFF  }
0xbc: {  	[dreg:$0x0] =	wrdreg $0x60  }
0xbd: {  	[dreg:$0x2] =	wrdreg s24  }
0xbe: {  	[dreg:$0x3] =	wrdreg $0xC  }
0xbf: {  	_ =	task.clear_ibuf [dreg:s22], $0x4FFFF;
	_ =	strace $0x9000004C  }
0xc0: {  	s29 =	simm.s32 $0xC;
	_ =	strace $0x8000004E  }
0xc1: {  	_ =	swait.ge [sflag:s29], $0x1  }
0xc2: {  	[sflag:s29] =	ssyncadd.s32 $0xFFFFFFFF  }
0xc3: {  	_ =	strace $0x9000004E  }
0xc4: {  	_ =	sfence  }
0xc5: {  	s30 =	sld [smem:$0x0];
	_ =	sdelay $0x2  }
0xc6: {  	s31 =	sshll.u32 s1, $0xD;
	s1 =	sshrl.u32 s1, $0x2  }
0xc7: {  	s4 =	sand.u32 $0x4000, s31;
	s1 =	sadd.s32 s1, s30  }
0xc8: {  	s0 =	sor.u32 s4, s0;
	s1 =	sshll.u32 s1, $0x11  }
0xc9: {  	s0 =	sor.u32 s1, s0  }
0xca: {  	s0 =	sadd.s32 $0x8F2B, s0  }
0xcb: {  	[sflag:s0] =	ssyncadd.remote.s32 $0x1  }
0xcc: {  	_ =	sfence.sel $0xFFFF  }
0xcd: {  	[dreg:$0x0] =	wrdreg $0xFFFFFFFF;
	(pc) =	sbr.abs _section_cstart, $3  }
0xce: {  	[dreg:$0x1] =	wrdreg $0xFFFFFFFF  }
0xcf: {  	_ =	task.clear_ibuf [dreg:s22], $0x2FFFF;
	_ =	strace $0x9FFFFFFF  }
0xd0: {  	(tm) =	ssettm $0x7FFFFFFF  }
0xd1: {  	_ =	shalt  }
tec
execute0_lowered:
.L_overlay_start_1:
0x0: {  	(tag) =	ssettag $0x1  }
0x1: {  	s1 =	srdreg.scid;
	s0 =	stileid.u32  }
0x2: {  	s22 =	sand.u32 $0x1, s1;
	s31 =	sshll.u32 s0, $0x1  }
0x3: {  	s1 =	sor.u32 s22, s31  }
0x4: {  	s3 =	smul.u32 $0x60, s1  }
0x5: {  	s12 =	rddreg [dreg:$0x0];
	s2 =	simm.s32 $0x0  }
0x6: {  	s4 =	simm.s32 $0x3;
	[smem:$0x7FF] =	sst s2;
	s5 =	sadd.s32 s3, s12  }
0x7: {  	s1 =	rddreg [dreg:$0x1];
	_ =	strace $0x8000004D;
	s3 =	sadd.s32 $0x484A00, s5  }
0x8: {  	[tilespmem:s2], [sflag:$0x3] =	stream.linear.gather [hbm4b:s3+s2], $0x300, $0x38;
	[tilespmem:$0x1600] =	vst v63  }
0x9: {  	_ =	swait.ge [sflag:s4], $0x300  }
0xa: {  	[sflag:s4] =	ssyncset.done $0x0  }
0xb: {  	s6 =	simm.s32 $0x300;
	s5 =	sadd.s32 $0x485600, s5;
	[sflag:s4] =	ssyncadd.s32 $0xFFFFFD00  }
0xc: {  	[tilespmem:s6], [sflag:$0x3] =	stream.linear.gather [hbm4b:s5+s2], $0x300, $0x38;
	[tilespmem:$0x1600] =	vst v63  }
0xd: {  	_ =	swait.ge [sflag:s4], $0x300  }
0xe: {  	s8 =	simm.s32 $0x80;
	[sflag:s4] =	ssyncset.done $0x0  }
0xf: {  	s9 =	simm.s32 $0x600;
	s7 =	sadd.s32 $0x3ECA00, s12;
	[sflag:s4] =	ssyncadd.s32 $0xFFFFFD00  }
0x10: {  	[tilespmem:s9], [sflag:$0x1] =	stream.indirect.gather [hbm4b:s7+s8], $0x10, s2, s8, $0xb8;
	[tilespmem:$0x1600] =	vst v63  }
0x11: {  	s10 =	simm.s32 $0xE00;
	s11 =	simm.s32 $0x1  }
0x12: {  	[tilespmem:s10], [sflag:$0x1] =	stream.indirect.gather [hbm4b:s7+s8], $0x10, s8, s8, $0xb8;
	[tilespmem:$0x1600] =	vst v63  }
0x13: {  	_ =	swait.ge [sflag:s11], $0x800  }
0x14: {  	[sflag:s11] =	ssyncset.done $0x0  }
0x15: {  	s13 =	sadd.s32 $0x486200, s12;
	s12 =	simm.s32 $0x2;
	[sflag:s11] =	ssyncadd.s32 $0xFFFFF800  }
0x16: {  	[hbm4b:s13+s8] =	stream.indirect.scatter [tilespmem:s9], [sflag:$0x2], $0x10, s6, s8, $0xb8;
	[tilespmem:$0x1600] =	vst v63  }
0x17: {  	_ =	swait.ge [sflag:s12], $0x800  }
0x18: {  	[sflag:s12] =	ssyncset.done $0x0  }
0x19: {  	s14 =	simm.s32 $0x100;
	[sflag:s12] =	ssyncadd.s32 $0xFFFFF800  }
0x1a: {  	[tilespmem:s9], [sflag:$0x1] =	stream.indirect.gather [hbm4b:s7+s8], $0x10, s14, s8, $0xb8;
	[tilespmem:$0x1600] =	vst v63  }
0x1b: {  	_ =	swait.ge [sflag:s11], $0x800  }
0x1c: {  	[sflag:s11] =	ssyncset.done $0x0  }
0x1d: {  	s15 =	simm.s32 $0x380;
	[sflag:s11] =	ssyncadd.s32 $0xFFFFF800  }
0x1e: {  	[hbm4b:s13+s8] =	stream.indirect.scatter [tilespmem:s10], [sflag:$0x2], $0x10, s15, s8, $0xb8;
	[tilespmem:$0x1600] =	vst v63  }
0x1f: {  	_ =	swait.ge [sflag:s12], $0x800  }
0x20: {  	[sflag:s12] =	ssyncset.done $0x0  }
0x21: {  	s16 =	simm.s32 $0x180;
	[sflag:s12] =	ssyncadd.s32 $0xFFFFF800  }
0x22: {  	[tilespmem:s10], [sflag:$0x1] =	stream.indirect.gather [hbm4b:s7+s8], $0x10, s16, s8, $0xb8;
	[tilespmem:$0x1600] =	vst v63  }
0x23: {  	_ =	swait.ge [sflag:s11], $0x800  }
0x24: {  	[sflag:s11] =	ssyncset.done $0x0  }
0x25: {  	s17 =	simm.s32 $0x400;
	[sflag:s11] =	ssyncadd.s32 $0xFFFFF800  }
0x26: {  	[hbm4b:s13+s8] =	stream.indirect.scatter [tilespmem:s9], [sflag:$0x2], $0x10, s17, s8, $0xb8;
	[tilespmem:$0x1600] =	vst v63  }
0x27: {  	_ =	swait.ge [sflag:s12], $0x800  }
0x28: {  	[sflag:s12] =	ssyncset.done $0x0  }
0x29: {  	s18 =	simm.s32 $0x200;
	[sflag:s12] =	ssyncadd.s32 $0xFFFFF800  }
0x2a: {  	[tilespmem:s9], [sflag:$0x1] =	stream.indirect.gather [hbm4b:s7+s8], $0x10, s18, s8, $0xb8;
	[tilespmem:$0x1600] =	vst v63  }
0x2b: {  	_ =	swait.ge [sflag:s11], $0x800  }
0x2c: {  	[sflag:s11] =	ssyncset.done $0x0  }
0x2d: {  	s19 =	simm.s32 $0x480;
	[sflag:s11] =	ssyncadd.s32 $0xFFFFF800  }
0x2e: {  	[hbm4b:s13+s8] =	stream.indirect.scatter [tilespmem:s10], [sflag:$0x2], $0x10, s19, s8, $0xb8;
	[tilespmem:$0x1600] =	vst v63  }
0x2f: {  	_ =	swait.ge [sflag:s12], $0x800  }
0x30: {  	[sflag:s12] =	ssyncset.done $0x0  }
0x31: {  	s20 =	simm.s32 $0x280;
	[sflag:s12] =	ssyncadd.s32 $0xFFFFF800  }
0x32: {  	[tilespmem:s10], [sflag:$0x1] =	stream.indirect.gather [hbm4b:s7+s8], $0x10, s20, s8, $0xb8;
	[tilespmem:$0x1600] =	vst v63  }
0x33: {  	_ =	swait.ge [sflag:s11], $0x800  }
0x34: {  	[sflag:s11] =	ssyncset.done $0x0  }
0x35: {  	s21 =	simm.s32 $0x500;
	s22 =	ssub.s32 $0x2, s22;
	[sflag:s11] =	ssyncadd.s32 $0xFFFFF800  }
0x36: {  	[hbm4b:s13+s8] =	stream.indirect.scatter [tilespmem:s9], [sflag:$0x2], $0x10, s21, s8, $0xb8;
	[tilespmem:$0x1600] =	vst v63  }
0x37: {  	s23 =	sshrl.u32 s22, $0x1;
	_ =	swait.ge [sflag:s12], $0x800  }
0x38: {  	s22 =	ssub.s32 s22, s23;
	[sflag:s12] =	ssyncset.done $0x0  }
0x39: {  	s23 =	smax.u32 s22, $0x1;
	[sflag:s12] =	ssyncadd.s32 $0xFFFFF800  }
0x3a: {  	p0 =	sne.s32 s23, $0x1;
	_ =	swait.ge [sflag:s11], $0x800  }
.Ltmp0:
0x3b: {  	[sflag:s11] =	ssyncset.done $0x0;
	(pc) =	sbr.rel @!p0 .LBB2_2-.Ltmp0, $4  }
0x3c: {  	s22 =	simm.s32 $0x580;
	[sflag:s11] =	ssyncadd.s32 $0xFFFFF800  }
0x3d: {  	[hbm4b:s13+s8] =	stream.indirect.scatter [tilespmem:s10], [sflag:$0x2], $0x10, s22, s8, $0xb8;
	[tilespmem:$0x1600] =	vst v63  }
0x3e: {  	_ =	swait.ge [sflag:s12], $0x800  }
0x3f: {  	s23 =	sadd.s32 $0xFFFFFFFF, s23;
	[sflag:s12] =	ssyncset.done $0x0  }
.LBB2_1:
0x40: {  	p0 =	sne.s32 s23, $0x1;
	s23 =	sadd.s32 $0xFFFFFFFF, s23;
	[sflag:s12] =	ssyncadd.s32 $0xFFFFF800  }
0x41: {  	[tilespmem:s2], [sflag:$0x3] =	stream.linear.gather [hbm4b:s3+s2], $0x300, $0x38;
	[tilespmem:$0x1600] =	vst v63  }
0x42: {  	_ =	swait.ge [sflag:s4], $0x300  }
0x43: {  	[sflag:s4] =	ssyncset.done $0x0  }
0x44: {  	[sflag:s4] =	ssyncadd.s32 $0xFFFFFD00  }
0x45: {  	[tilespmem:s6], [sflag:$0x3] =	stream.linear.gather [hbm4b:s5+s2], $0x300, $0x38;
	[tilespmem:$0x1600] =	vst v63  }
0x46: {  	_ =	swait.ge [sflag:s4], $0x300  }
0x47: {  	[sflag:s4] =	ssyncset.done $0x0  }
0x48: {  	[sflag:s4] =	ssyncadd.s32 $0xFFFFFD00  }
0x49: {  	[tilespmem:s9], [sflag:$0x1] =	stream.indirect.gather [hbm4b:s7+s8], $0x10, s2, s8, $0xb8;
	[tilespmem:$0x1600] =	vst v63  }
0x4a: {  	_ = 	snop  }
0x4b: {  	[tilespmem:s10], [sflag:$0x1] =	stream.indirect.gather [hbm4b:s7+s8], $0x10, s8, s8, $0xb8;
	[tilespmem:$0x1600] =	vst v63  }
0x4c: {  	_ =	swait.ge [sflag:s11], $0x800  }
0x4d: {  	[sflag:s11] =	ssyncset.done $0x0  }
0x4e: {  	[sflag:s11] =	ssyncadd.s32 $0xFFFFF800  }
0x4f: {  	[hbm4b:s13+s8] =	stream.indirect.scatter [tilespmem:s9], [sflag:$0x2], $0x10, s6, s8, $0xb8;
	[tilespmem:$0x1600] =	vst v63  }
0x50: {  	_ =	swait.ge [sflag:s12], $0x800  }
0x51: {  	[sflag:s12] =	ssyncset.done $0x0  }
0x52: {  	[sflag:s12] =	ssyncadd.s32 $0xFFFFF800  }
0x53: {  	[tilespmem:s9], [sflag:$0x1] =	stream.indirect.gather [hbm4b:s7+s8], $0x10, s14, s8, $0xb8;
	[tilespmem:$0x1600] =	vst v63  }
0x54: {  	_ =	swait.ge [sflag:s11], $0x800  }
0x55: {  	[sflag:s11] =	ssyncset.done $0x0  }
0x56: {  	[sflag:s11] =	ssyncadd.s32 $0xFFFFF800  }
0x57: {  	[hbm4b:s13+s8] =	stream.indirect.scatter [tilespmem:s10], [sflag:$0x2], $0x10, s15, s8, $0xb8;
	[tilespmem:$0x1600] =	vst v63  }
0x58: {  	_ =	swait.ge [sflag:s12], $0x800  }
0x59: {  	[sflag:s12] =	ssyncset.done $0x0  }
0x5a: {  	[sflag:s12] =	ssyncadd.s32 $0xFFFFF800  }
0x5b: {  	[tilespmem:s10], [sflag:$0x1] =	stream.indirect.gather [hbm4b:s7+s8], $0x10, s16, s8, $0xb8;
	[tilespmem:$0x1600] =	vst v63  }
0x5c: {  	_ =	swait.ge [sflag:s11], $0x800  }
0x5d: {  	[sflag:s11] =	ssyncset.done $0x0  }
0x5e: {  	[sflag:s11] =	ssyncadd.s32 $0xFFFFF800  }
0x5f: {  	[hbm4b:s13+s8] =	stream.indirect.scatter [tilespmem:s9], [sflag:$0x2], $0x10, s17, s8, $0xb8;
	[tilespmem:$0x1600] =	vst v63  }
0x60: {  	_ =	swait.ge [sflag:s12], $0x800  }
0x61: {  	[sflag:s12] =	ssyncset.done $0x0  }
0x62: {  	[sflag:s12] =	ssyncadd.s32 $0xFFFFF800  }
0x63: {  	[tilespmem:s9], [sflag:$0x1] =	stream.indirect.gather [hbm4b:s7+s8], $0x10, s18, s8, $0xb8;
	[tilespmem:$0x1600] =	vst v63  }
0x64: {  	_ =	swait.ge [sflag:s11], $0x800  }
0x65: {  	[sflag:s11] =	ssyncset.done $0x0  }
0x66: {  	[sflag:s11] =	ssyncadd.s32 $0xFFFFF800  }
0x67: {  	[hbm4b:s13+s8] =	stream.indirect.scatter [tilespmem:s10], [sflag:$0x2], $0x10, s19, s8, $0xb8;
	[tilespmem:$0x1600] =	vst v63  }
0x68: {  	_ =	swait.ge [sflag:s12], $0x800  }
0x69: {  	[sflag:s12] =	ssyncset.done $0x0  }
0x6a: {  	[sflag:s12] =	ssyncadd.s32 $0xFFFFF800  }
0x6b: {  	[tilespmem:s10], [sflag:$0x1] =	stream.indirect.gather [hbm4b:s7+s8], $0x10, s20, s8, $0xb8;
	[tilespmem:$0x1600] =	vst v63  }
0x6c: {  	_ =	swait.ge [sflag:s11], $0x800  }
0x6d: {  	[sflag:s11] =	ssyncset.done $0x0  }
0x6e: {  	[sflag:s11] =	ssyncadd.s32 $0xFFFFF800  }
0x6f: {  	[hbm4b:s13+s8] =	stream.indirect.scatter [tilespmem:s9], [sflag:$0x2], $0x10, s21, s8, $0xb8;
	[tilespmem:$0x1600] =	vst v63  }
0x70: {  	_ =	swait.ge [sflag:s12], $0x800  }
0x71: {  	[sflag:s12] =	ssyncset.done $0x0  }
0x72: {  	[sflag:s12] =	ssyncadd.s32 $0xFFFFF800  }
0x73: {  	_ =	swait.ge [sflag:s11], $0x800  }
.Ltmp1:
0x74: {  	[sflag:s11] =	ssyncset.done $0x0;
	(pc) =	sbr.rel @p0 .LBB2_1-.Ltmp1, $4  }
0x75: {  	[sflag:s11] =	ssyncadd.s32 $0xFFFFF800  }
0x76: {  	[hbm4b:s13+s8] =	stream.indirect.scatter [tilespmem:s10], [sflag:$0x2], $0x10, s22, s8, $0xb8;
	[tilespmem:$0x1600] =	vst v63  }
0x77: {  	_ =	swait.ge [sflag:s12], $0x800  }
0x78: {  	[sflag:s12] =	ssyncset.done $0x0  }
.LBB2_2:
0x79: {  	[sflag:s12] =	ssyncadd.s32 $0xFFFFF800  }
0x7a: {  	_ =	sfence.sel $0x180000  }
0x7b: {  	[bflag:$0x0] =	sbarrier.arrive $0xFFFF  }
0x7c: {  	p0 =	sne.s32 s0, $0x0;
	_ =	strace $0x9000004D  }
0x7d: {  	s0 =	sadd.s32 @!p0 $0x100000, s1;
	[bflag:$0x2] =	sbarrier.arrive $0xFFFF  }
0x7e: {  	[sflag:s0] =	ssyncadd.tile.s32 @!p0 $0x1;
	_ =	shalt  }
.Lfunc_end2:
_tile_overlayer_lowered:
.L_overlay_start_2:
0x7f: {  	(tag) =	ssettag $0x2  }
0x80: {  	s0 =	rddreg [dreg:$0x0];
	s2 =	stileid.u32  }
0x81: {  	s1 =	rddreg [dreg:$0x1];
	p0 =	sne.s32 s2, $0x0  }
0x82: {  	s3 =	rddreg [dreg:$0x2];
	[bflag:$0x3] =	sbarrier.arrive $0xFFFF;
	s2 =	simm.s32 @!p0 $0x1C03  }
0x83: {  	[timem:s3], [sflag:s2] =	dma.local @!p0 [hbm:s0], s1  }
0x84: {  	s0 =	simm.s32 @!p0 $0x3  }
0x85: {  	_ =	swait.ge @!p0 [sflag:s0], s1  }
0x86: {  	s1 =	ssub.s32 @!p0 $0x0, s1;
	[sflag:s0] =	ssyncset.done @!p0 $0x0  }
0x87: {  	[sflag:s0] =	ssyncadd.s32 @!p0 s1  }
0x88: {  	[bflag:$0x3] =	sbarrier.arrive $0xFFFF  }
0x89: {  	_ =	shalt  }

</sc_bundles>
